<compile_context>
chip_gen: v7x
topology: tpu7x:2x2x1
jax: 0.10.2.dev20260603
libtpu: 0.0.44.dev20260713+nightly
codegen_flags: <defaults>
</compile_context>

<pallas_src>
import functools

import jax
import jax.numpy as jnp
from jax import lax
from jax.experimental import pallas as pl
from jax.experimental.pallas import tpu as pltpu
from jax.experimental.pallas import tpu_sc as plsc

_N = 2048
_K = 8192
_D = 128
_BQ = 128
_BK = 2048


def _l1_argmin_body(a_ref, gt_ref, idx_ref, minv_ref, mini_ref):
    j = pl.program_id(1)
    nk = pl.num_programs(1)
    a = a_ref[...]
    ghalf = jnp.sum(gt_ref[...], axis=0, keepdims=True) * 0.5
    acc = None
    cs = _D // 4
    for c in range(4):
        part = jnp.zeros((_BQ, _BK), jnp.float32)
        for d in range(c * cs, (c + 1) * cs):
            part = part + jnp.maximum(a[:, d:d + 1], gt_ref[d:d + 1, :])
        acc = part if acc is None else acc + part
    acc = acc - ghalf
    bmin = jnp.min(acc, axis=1, keepdims=True)
    ii = lax.broadcasted_iota(jnp.int32, (_BQ, _BK), 1)
    barg = jnp.min(jnp.where(acc == bmin, ii, _K), axis=1,
                   keepdims=True) + j * _BK

    @pl.when(j == 0)
    def _():
        minv_ref[...] = bmin
        mini_ref[...] = barg

    @pl.when(j > 0)
    def _():
        upd = bmin < minv_ref[...]
        mini_ref[...] = jnp.where(upd, barg, mini_ref[...])
        minv_ref[...] = jnp.where(upd, bmin, minv_ref[...])

    @pl.when(j == nk - 1)
    def _():
        idx_ref[0, :, :] = mini_ref[...]


def _l1_argmin(agents, goals_t):
    grid = (_N // _BQ, _K // _BK)
    idx3 = pl.pallas_call(
        _l1_argmin_body,
        grid=grid,
        in_specs=[
            pl.BlockSpec((_BQ, _D), lambda i, j: (i, 0)),
            pl.BlockSpec((_D, _BK), lambda i, j: (0, j)),
        ],
        out_specs=pl.BlockSpec((1, _BQ, 1), lambda i, j: (i, 0, 0)),
        out_shape=jax.ShapeDtypeStruct((_N // _BQ, _BQ, 1), jnp.int32),
        scratch_shapes=[
            pltpu.VMEM((_BQ, 1), jnp.float32),
            pltpu.VMEM((_BQ, 1), jnp.int32),
        ],
        compiler_params=pltpu.CompilerParams(
            dimension_semantics=("parallel", "arbitrary")),
    )(agents, goals_t)
    return idx3.reshape(_N)


_NC = 2
_NS = 16
_NW = _NC * _NS
_BPW = _N // _NW


def _sc_gather_sub_body(goals_hbm, idx_hbm, agents_hbm, out_hbm,
                        idx_v, g_v, a_v, sem):
    wid = lax.axis_index("s") * _NC + lax.axis_index("c")
    base = wid * _BPW
    pltpu.sync_copy(idx_hbm.at[pl.ds(base, _BPW)], idx_v)
    cp = pltpu.async_copy(goals_hbm.at[idx_v], g_v, sem)
    pltpu.sync_copy(agents_hbm.at[pl.ds(base, _BPW)], a_v)
    cp.wait()

    def row(i, c):
        for jj in range(_D // 16):
            s = slice(jj * 16, (jj + 1) * 16)
            g_v[i, s] = g_v[i, s] - a_v[i, s]
        return c

    lax.fori_loop(0, _BPW, row, 0)
    pltpu.sync_copy(g_v, out_hbm.at[pl.ds(base, _BPW)])


def _sc_gather_sub(goals, idx, agents):
    mesh = plsc.VectorSubcoreMesh(core_axis_name="c", subcore_axis_name="s")
    k = functools.partial(
        pl.kernel,
        mesh=mesh,
        out_type=jax.ShapeDtypeStruct((_N, _D), jnp.float32),
        scratch_types=[
            pltpu.VMEM((_BPW,), jnp.int32),
            pltpu.VMEM((_BPW, _D), jnp.float32),
            pltpu.VMEM((_BPW, _D), jnp.float32),
            pltpu.SemaphoreType.DMA,
        ],
    )(_sc_gather_sub_body)
    return k(goals, idx, agents)


def kernel(x):
    agents = x[:_N, :_D]
    goals = x[_N:, :_D]
    goals_t = goals.T
    idx = _l1_argmin(agents, goals_t)
    dis = _sc_gather_sub(goals, idx, agents)
    return idx, dis

# --- scband reference (transcript-rebuilt; emitter-appended) ---
"""Pipeline reference for scband-sys-rollout-policy-31327491457449 (READ-ONLY COPY).

The authoritative reference and input builder live on the scoring server;
editing this copy changes nothing except your own understanding.
"""

import jax, jax.numpy as jnp
import numpy as np

N_AGENTS = 2048
CHUNK = 32

def setup_inputs(seed: int = 0) -> dict:
    key = jax.random.key(seed)
    x = jax.random.normal(key, (10240, 129), dtype=jnp.float32)
    return {"x": x}

def reference(x):
    n = N_AGENTS
    agents = x[:n, :-1]           # [Q, d]
    goals = x[n:, :-1]            # [K, d]
    d = agents.shape[-1]
    ac = agents.reshape(-1, CHUNK, d)
    def per_chunk(a):
        # L1 (p=1) pairwise distances, chunked to bound memory
        dist = jnp.sum(jnp.abs(a[:, None, :] - goals[None, :, :]), axis=-1)  # [CHUNK, K]
        return jnp.argmin(dist, axis=1)
    idx = jax.lax.map(per_chunk, ac).reshape(-1)  # [Q], nearest goal per agent (cdist.min(1).indices)
    dis = goals[idx] - agents     # obs.x[idx + n, :-1] - obs.x[:n, :-1]
    return idx, dis

if __name__ == "__main__":
    import jax
    _d = setup_inputs()
    print(jax.jit(kernel)(*tuple(_d.values())))

</pallas_src>

<mosaic_0001>
#map = affine_map<(d0, d1) -> (0, 0)>
#map1 = affine_map<(d0, d1) -> (0)>
module attributes {stable_mosaic.version = 14 : i64} {
  func.func @_sc_gather_sub_body(%arg0: i32, %arg1: i32, %arg2: memref<8192x128xf32, #tpu.memory_space<hbm>>, %arg3: memref<2048xi32, #tpu.memory_space<hbm>>, %arg4: memref<2048x128xf32, #tpu.memory_space<hbm>>, %arg5: memref<2048x128xf32, #tpu.memory_space<hbm>>, %arg6: memref<64xi32, #tpu.memory_space<vmem>>, %arg7: memref<64x128xf32, #tpu.memory_space<vmem>>, %arg8: memref<64x128xf32, #tpu.memory_space<vmem>>, %arg9: memref<!tpu.dma_semaphore, #tpu.memory_space<semaphore_mem>>) attributes {dimension_semantics = [#tpu.dimension_semantics<core_parallel>, #tpu.dimension_semantics<subcore_parallel>], iteration_bounds = array<i64: 2, 16>, scalar_prefetch = 0 : i64, scratch_operands = 4 : i64, tpu.core_type = #tpu.core_type<sc_vector_subcore>, window_params = [{transform_indices = #map}, {transform_indices = #map1}, {transform_indices = #map}, {transform_indices = #map}]} {
    %mul3A = arith.constant 2 : i32
    %mul3A_0 = arith.muli %arg1, %mul3A : i32
    %add3A = arith.addi %mul3A_0, %arg0 : i32
    %mul3A_1 = arith.constant 64 : i32
    %mul3A_2 = arith.muli %add3A, %mul3A_1 : i32
    "tpu.region"() ({
      %run_scoped3A = tpu.sem_alloc : memref<!tpu.dma_semaphore, #tpu.memory_space<semaphore_mem>>
      %dma_start3A_12 = tpu.memref_slice %arg3[%mul3A_2] : memref<2048xi32, #tpu.memory_space<hbm>> -> memref<64xi32, #tpu.memory_space<hbm>>
      %dma_start3A_13 = tpu.memref_slice %arg3[%mul3A_2] : memref<2048xi32, #tpu.memory_space<hbm>> -> memref<64xi32, #tpu.memory_space<hbm>>
      tpu.enqueue_dma source(%dma_start3A_13 : memref<64xi32, #tpu.memory_space<hbm>>) target(%arg6 : memref<64xi32, #tpu.memory_space<vmem>>) target_semaphore(%run_scoped3A : memref<!tpu.dma_semaphore, #tpu.memory_space<semaphore_mem>>)
      %dma_wait3A_14 = tpu.memref_slice %arg3[%mul3A_2] : memref<2048xi32, #tpu.memory_space<hbm>> -> memref<64xi32, #tpu.memory_space<hbm>>
      %dma_wait3A_15 = tpu.memref_slice %arg3[%mul3A_2] : memref<2048xi32, #tpu.memory_space<hbm>> -> memref<64xi32, #tpu.memory_space<hbm>>
      tpu.wait_dma2 semaphore(%run_scoped3A : memref<!tpu.dma_semaphore, #tpu.memory_space<semaphore_mem>>) src(%dma_wait3A_15 : memref<64xi32, #tpu.memory_space<hbm>>) dst(%arg6 : memref<64xi32, #tpu.memory_space<vmem>>)
      tpu.yield
    }) : () -> ()
    %dma_start3A = arith.constant 0 : i32
    %dma_start3A_3 = arith.constant 0 : i32
    %dma_start3A_4 = tpu.memref_slice %arg2[%dma_start3A, %dma_start3A_3] : memref<8192x128xf32, #tpu.memory_space<hbm>> -> memref<8192x128xf32, #tpu.memory_space<hbm>>
    tpu.enqueue_indirect_dma source(%dma_start3A_4 : memref<8192x128xf32, #tpu.memory_space<hbm>>) target(%arg7 : memref<64x128xf32, #tpu.memory_space<vmem>>) offsets(%arg6 : memref<64xi32, #tpu.memory_space<vmem>>) semaphore(%arg9 : memref<!tpu.dma_semaphore, #tpu.memory_space<semaphore_mem>>)
    "tpu.region"() ({
      %run_scoped3A = tpu.sem_alloc : memref<!tpu.dma_semaphore, #tpu.memory_space<semaphore_mem>>
      %dma_start3A_12 = arith.constant 0 : i32
      %dma_start3A_13 = tpu.memref_slice %arg4[%mul3A_2, %dma_start3A_12] : memref<2048x128xf32, #tpu.memory_space<hbm>> -> memref<64x128xf32, #tpu.memory_space<hbm>>
      %dma_start3A_14 = arith.constant 0 : i32
      %dma_start3A_15 = tpu.memref_slice %arg4[%mul3A_2, %dma_start3A_14] : memref<2048x128xf32, #tpu.memory_space<hbm>> -> memref<64x128xf32, #tpu.memory_space<hbm>>
      tpu.enqueue_dma source(%dma_start3A_15 : memref<64x128xf32, #tpu.memory_space<hbm>>) target(%arg8 : memref<64x128xf32, #tpu.memory_space<vmem>>) target_semaphore(%run_scoped3A : memref<!tpu.dma_semaphore, #tpu.memory_space<semaphore_mem>>)
      %dma_wait3A_16 = arith.constant 0 : i32
      %dma_wait3A_17 = tpu.memref_slice %arg4[%mul3A_2, %dma_wait3A_16] : memref<2048x128xf32, #tpu.memory_space<hbm>> -> memref<64x128xf32, #tpu.memory_space<hbm>>
      %dma_wait3A_18 = arith.constant 0 : i32
      %dma_wait3A_19 = tpu.memref_slice %arg4[%mul3A_2, %dma_wait3A_18] : memref<2048x128xf32, #tpu.memory_space<hbm>> -> memref<64x128xf32, #tpu.memory_space<hbm>>
      tpu.wait_dma2 semaphore(%run_scoped3A : memref<!tpu.dma_semaphore, #tpu.memory_space<semaphore_mem>>) src(%dma_wait3A_19 : memref<64x128xf32, #tpu.memory_space<hbm>>) dst(%arg8 : memref<64x128xf32, #tpu.memory_space<vmem>>)
      tpu.yield
    }) : () -> ()
    %dma_wait3A = arith.constant 0 : i32
    %dma_wait3A_5 = arith.constant 0 : i32
    %dma_wait3A_6 = tpu.memref_slice %arg2[%dma_wait3A, %dma_wait3A_5] : memref<8192x128xf32, #tpu.memory_space<hbm>> -> memref<8192x128xf32, #tpu.memory_space<hbm>>
    tpu.wait_indirect_dma semaphore(%arg9 : memref<!tpu.dma_semaphore, #tpu.memory_space<semaphore_mem>>) src(%dma_wait3A_6 : memref<8192x128xf32, #tpu.memory_space<hbm>>) dst(%arg7 : memref<64x128xf32, #tpu.memory_space<vmem>>)
    %scan3A = arith.constant 0 : i32
    %scan3A_7 = arith.constant 0 : i32
    %scan3A_8 = arith.constant 64 : i32
    %scan3A_9 = arith.addi %scan3A_7, %scan3A_8 : i32
    %scan3A_10 = arith.constant 1 : i32
    scf.for %scan3A_12 = %scan3A_7 to %scan3A_9 step %scan3A_10  : i32 {
      %get3A = arith.index_cast %scan3A_12 : i32 to index
      %get3A_13 = arith.constant 0 : index
      %get3A_14 = tpu.vector_load %arg7[%get3A, %get3A_13] {strides = array<i32>} : memref<64x128xf32, #tpu.memory_space<vmem>>, vector<1x16xf32>,
      %get3A_15 = vector.shape_cast %get3A_14 : vector<1x16xf32> to vector<16xf32>
      %get3A_16 = arith.index_cast %scan3A_12 : i32 to index
      %get3A_17 = arith.constant 0 : index
      %get3A_18 = tpu.vector_load %arg8[%get3A_16, %get3A_17] {strides = array<i32>} : memref<64x128xf32, #tpu.memory_space<vmem>>, vector<1x16xf32>,
      %get3A_19 = vector.shape_cast %get3A_18 : vector<1x16xf32> to vector<16xf32>
      %sub3A = arith.subf %get3A_15, %get3A_19 : vector<16xf32>
      %swap3A = arith.index_cast %scan3A_12 : i32 to index
      %swap3A_20 = arith.constant 0 : index
      %swap3A_21 = tpu.vector_load %arg7[%swap3A, %swap3A_20] {strides = array<i32>} : memref<64x128xf32, #tpu.memory_space<vmem>>, vector<1x16xf32>,
      %swap3A_22 = vector.shape_cast %swap3A_21 : vector<1x16xf32> to vector<16xf32>
      %swap3A_23 = vector.shape_cast %sub3A : vector<16xf32> to vector<1x16xf32>
      tpu.vector_store %arg7[%swap3A, %swap3A_20], %swap3A_23 {strides = array<i32>} : memref<64x128xf32, #tpu.memory_space<vmem>>, vector<1x16xf32>,
      %get3A_24 = arith.index_cast %scan3A_12 : i32 to index
      %get3A_25 = arith.constant 16 : index
      %get3A_26 = tpu.vector_load %arg7[%get3A_24, %get3A_25] {strides = array<i32>} : memref<64x128xf32, #tpu.memory_space<vmem>>, vector<1x16xf32>,
      %get3A_27 = vector.shape_cast %get3A_26 : vector<1x16xf32> to vector<16xf32>
      %get3A_28 = arith.index_cast %scan3A_12 : i32 to index
      %get3A_29 = arith.constant 16 : index
      %get3A_30 = tpu.vector_load %arg8[%get3A_28, %get3A_29] {strides = array<i32>} : memref<64x128xf32, #tpu.memory_space<vmem>>, vector<1x16xf32>,
      %get3A_31 = vector.shape_cast %get3A_30 : vector<1x16xf32> to vector<16xf32>
      %sub3A_32 = arith.subf %get3A_27, %get3A_31 : vector<16xf32>
      %swap3A_33 = arith.index_cast %scan3A_12 : i32 to index
      %swap3A_34 = arith.constant 16 : index
      %swap3A_35 = tpu.vector_load %arg7[%swap3A_33, %swap3A_34] {strides = array<i32>} : memref<64x128xf32, #tpu.memory_space<vmem>>, vector<1x16xf32>,
      %swap3A_36 = vector.shape_cast %swap3A_35 : vector<1x16xf32> to vector<16xf32>
      %swap3A_37 = vector.shape_cast %sub3A_32 : vector<16xf32> to vector<1x16xf32>
      tpu.vector_store %arg7[%swap3A_33, %swap3A_34], %swap3A_37 {strides = array<i32>} : memref<64x128xf32, #tpu.memory_space<vmem>>, vector<1x16xf32>,
      %get3A_38 = arith.index_cast %scan3A_12 : i32 to index
      %get3A_39 = arith.constant 32 : index
      %get3A_40 = tpu.vector_load %arg7[%get3A_38, %get3A_39] {strides = array<i32>} : memref<64x128xf32, #tpu.memory_space<vmem>>, vector<1x16xf32>,
      %get3A_41 = vector.shape_cast %get3A_40 : vector<1x16xf32> to vector<16xf32>
      %get3A_42 = arith.index_cast %scan3A_12 : i32 to index
      %get3A_43 = arith.constant 32 : index
      %get3A_44 = tpu.vector_load %arg8[%get3A_42, %get3A_43] {strides = array<i32>} : memref<64x128xf32, #tpu.memory_space<vmem>>, vector<1x16xf32>,
      %get3A_45 = vector.shape_cast %get3A_44 : vector<1x16xf32> to vector<16xf32>
      %sub3A_46 = arith.subf %get3A_41, %get3A_45 : vector<16xf32>
      %swap3A_47 = arith.index_cast %scan3A_12 : i32 to index
      %swap3A_48 = arith.constant 32 : index
      %swap3A_49 = tpu.vector_load %arg7[%swap3A_47, %swap3A_48] {strides = array<i32>} : memref<64x128xf32, #tpu.memory_space<vmem>>, vector<1x16xf32>,
      %swap3A_50 = vector.shape_cast %swap3A_49 : vector<1x16xf32> to vector<16xf32>
      %swap3A_51 = vector.shape_cast %sub3A_46 : vector<16xf32> to vector<1x16xf32>
      tpu.vector_store %arg7[%swap3A_47, %swap3A_48], %swap3A_51 {strides = array<i32>} : memref<64x128xf32, #tpu.memory_space<vmem>>, vector<1x16xf32>,
      %get3A_52 = arith.index_cast %scan3A_12 : i32 to index
      %get3A_53 = arith.constant 48 : index
      %get3A_54 = tpu.vector_load %arg7[%get3A_52, %get3A_53] {strides = array<i32>} : memref<64x128xf32, #tpu.memory_space<vmem>>, vector<1x16xf32>,
      %get3A_55 = vector.shape_cast %get3A_54 : vector<1x16xf32> to vector<16xf32>
      %get3A_56 = arith.index_cast %scan3A_12 : i32 to index
      %get3A_57 = arith.constant 48 : index
      %get3A_58 = tpu.vector_load %arg8[%get3A_56, %get3A_57] {strides = array<i32>} : memref<64x128xf32, #tpu.memory_space<vmem>>, vector<1x16xf32>,
      %get3A_59 = vector.shape_cast %get3A_58 : vector<1x16xf32> to vector<16xf32>
      %sub3A_60 = arith.subf %get3A_55, %get3A_59 : vector<16xf32>
      %swap3A_61 = arith.index_cast %scan3A_12 : i32 to index
      %swap3A_62 = arith.constant 48 : index
      %swap3A_63 = tpu.vector_load %arg7[%swap3A_61, %swap3A_62] {strides = array<i32>} : memref<64x128xf32, #tpu.memory_space<vmem>>, vector<1x16xf32>,
      %swap3A_64 = vector.shape_cast %swap3A_63 : vector<1x16xf32> to vector<16xf32>
      %swap3A_65 = vector.shape_cast %sub3A_60 : vector<16xf32> to vector<1x16xf32>
      tpu.vector_store %arg7[%swap3A_61, %swap3A_62], %swap3A_65 {strides = array<i32>} : memref<64x128xf32, #tpu.memory_space<vmem>>, vector<1x16xf32>,
      %get3A_66 = arith.index_cast %scan3A_12 : i32 to index
      %get3A_67 = arith.constant 64 : index
      %get3A_68 = tpu.vector_load %arg7[%get3A_66, %get3A_67] {strides = array<i32>} : memref<64x128xf32, #tpu.memory_space<vmem>>, vector<1x16xf32>,
      %get3A_69 = vector.shape_cast %get3A_68 : vector<1x16xf32> to vector<16xf32>
      %get3A_70 = arith.index_cast %scan3A_12 : i32 to index
      %get3A_71 = arith.constant 64 : index
      %get3A_72 = tpu.vector_load %arg8[%get3A_70, %get3A_71] {strides = array<i32>} : memref<64x128xf32, #tpu.memory_space<vmem>>, vector<1x16xf32>,
      %get3A_73 = vector.shape_cast %get3A_72 : vector<1x16xf32> to vector<16xf32>
      %sub3A_74 = arith.subf %get3A_69, %get3A_73 : vector<16xf32>
      %swap3A_75 = arith.index_cast %scan3A_12 : i32 to index
      %swap3A_76 = arith.constant 64 : index
      %swap3A_77 = tpu.vector_load %arg7[%swap3A_75, %swap3A_76] {strides = array<i32>} : memref<64x128xf32, #tpu.memory_space<vmem>>, vector<1x16xf32>,
      %swap3A_78 = vector.shape_cast %swap3A_77 : vector<1x16xf32> to vector<16xf32>
      %swap3A_79 = vector.shape_cast %sub3A_74 : vector<16xf32> to vector<1x16xf32>
      tpu.vector_store %arg7[%swap3A_75, %swap3A_76], %swap3A_79 {strides = array<i32>} : memref<64x128xf32, #tpu.memory_space<vmem>>, vector<1x16xf32>,
      %get3A_80 = arith.index_cast %scan3A_12 : i32 to index
      %get3A_81 = arith.constant 80 : index
      %get3A_82 = tpu.vector_load %arg7[%get3A_80, %get3A_81] {strides = array<i32>} : memref<64x128xf32, #tpu.memory_space<vmem>>, vector<1x16xf32>,
      %get3A_83 = vector.shape_cast %get3A_82 : vector<1x16xf32> to vector<16xf32>
      %get3A_84 = arith.index_cast %scan3A_12 : i32 to index
      %get3A_85 = arith.constant 80 : index
      %get3A_86 = tpu.vector_load %arg8[%get3A_84, %get3A_85] {strides = array<i32>} : memref<64x128xf32, #tpu.memory_space<vmem>>, vector<1x16xf32>,
      %get3A_87 = vector.shape_cast %get3A_86 : vector<1x16xf32> to vector<16xf32>
      %sub3A_88 = arith.subf %get3A_83, %get3A_87 : vector<16xf32>
      %swap3A_89 = arith.index_cast %scan3A_12 : i32 to index
      %swap3A_90 = arith.constant 80 : index
      %swap3A_91 = tpu.vector_load %arg7[%swap3A_89, %swap3A_90] {strides = array<i32>} : memref<64x128xf32, #tpu.memory_space<vmem>>, vector<1x16xf32>,
      %swap3A_92 = vector.shape_cast %swap3A_91 : vector<1x16xf32> to vector<16xf32>
      %swap3A_93 = vector.shape_cast %sub3A_88 : vector<16xf32> to vector<1x16xf32>
      tpu.vector_store %arg7[%swap3A_89, %swap3A_90], %swap3A_93 {strides = array<i32>} : memref<64x128xf32, #tpu.memory_space<vmem>>, vector<1x16xf32>,
      %get3A_94 = arith.index_cast %scan3A_12 : i32 to index
      %get3A_95 = arith.constant 96 : index
      %get3A_96 = tpu.vector_load %arg7[%get3A_94, %get3A_95] {strides = array<i32>} : memref<64x128xf32, #tpu.memory_space<vmem>>, vector<1x16xf32>,
      %get3A_97 = vector.shape_cast %get3A_96 : vector<1x16xf32> to vector<16xf32>
      %get3A_98 = arith.index_cast %scan3A_12 : i32 to index
      %get3A_99 = arith.constant 96 : index
      %get3A_100 = tpu.vector_load %arg8[%get3A_98, %get3A_99] {strides = array<i32>} : memref<64x128xf32, #tpu.memory_space<vmem>>, vector<1x16xf32>,
      %get3A_101 = vector.shape_cast %get3A_100 : vector<1x16xf32> to vector<16xf32>
      %sub3A_102 = arith.subf %get3A_97, %get3A_101 : vector<16xf32>
      %swap3A_103 = arith.index_cast %scan3A_12 : i32 to index
      %swap3A_104 = arith.constant 96 : index
      %swap3A_105 = tpu.vector_load %arg7[%swap3A_103, %swap3A_104] {strides = array<i32>} : memref<64x128xf32, #tpu.memory_space<vmem>>, vector<1x16xf32>,
      %swap3A_106 = vector.shape_cast %swap3A_105 : vector<1x16xf32> to vector<16xf32>
      %swap3A_107 = vector.shape_cast %sub3A_102 : vector<16xf32> to vector<1x16xf32>
      tpu.vector_store %arg7[%swap3A_103, %swap3A_104], %swap3A_107 {strides = array<i32>} : memref<64x128xf32, #tpu.memory_space<vmem>>, vector<1x16xf32>,
      %get3A_108 = arith.index_cast %scan3A_12 : i32 to index
      %get3A_109 = arith.constant 112 : index
      %get3A_110 = tpu.vector_load %arg7[%get3A_108, %get3A_109] {strides = array<i32>} : memref<64x128xf32, #tpu.memory_space<vmem>>, vector<1x16xf32>,
      %get3A_111 = vector.shape_cast %get3A_110 : vector<1x16xf32> to vector<16xf32>
      %get3A_112 = arith.index_cast %scan3A_12 : i32 to index
      %get3A_113 = arith.constant 112 : index
      %get3A_114 = tpu.vector_load %arg8[%get3A_112, %get3A_113] {strides = array<i32>} : memref<64x128xf32, #tpu.memory_space<vmem>>, vector<1x16xf32>,
      %get3A_115 = vector.shape_cast %get3A_114 : vector<1x16xf32> to vector<16xf32>
      %sub3A_116 = arith.subf %get3A_111, %get3A_115 : vector<16xf32>
      %swap3A_117 = arith.index_cast %scan3A_12 : i32 to index
      %swap3A_118 = arith.constant 112 : index
      %swap3A_119 = tpu.vector_load %arg7[%swap3A_117, %swap3A_118] {strides = array<i32>} : memref<64x128xf32, #tpu.memory_space<vmem>>, vector<1x16xf32>,
      %swap3A_120 = vector.shape_cast %swap3A_119 : vector<1x16xf32> to vector<16xf32>
      %swap3A_121 = vector.shape_cast %sub3A_116 : vector<16xf32> to vector<1x16xf32>
      tpu.vector_store %arg7[%swap3A_117, %swap3A_118], %swap3A_121 {strides = array<i32>} : memref<64x128xf32, #tpu.memory_space<vmem>>, vector<1x16xf32>,
    }
    %scan3A_11 = arith.constant 64 : i32
    "tpu.region"() ({
      %run_scoped3A = tpu.sem_alloc : memref<!tpu.dma_semaphore, #tpu.memory_space<semaphore_mem>>
      %dma_start3A_12 = arith.constant 0 : i32
      %dma_start3A_13 = tpu.memref_slice %arg5[%mul3A_2, %dma_start3A_12] : memref<2048x128xf32, #tpu.memory_space<hbm>> -> memref<64x128xf32, #tpu.memory_space<hbm>>
      %dma_start3A_14 = arith.constant 0 : i32
      %dma_start3A_15 = tpu.memref_slice %arg5[%mul3A_2, %dma_start3A_14] : memref<2048x128xf32, #tpu.memory_space<hbm>> -> memref<64x128xf32, #tpu.memory_space<hbm>>
      tpu.enqueue_dma source(%arg7 : memref<64x128xf32, #tpu.memory_space<vmem>>) target(%dma_start3A_15 : memref<64x128xf32, #tpu.memory_space<hbm>>) target_semaphore(%run_scoped3A : memref<!tpu.dma_semaphore, #tpu.memory_space<semaphore_mem>>)
      %dma_wait3A_16 = arith.constant 0 : i32
      %dma_wait3A_17 = tpu.memref_slice %arg5[%mul3A_2, %dma_wait3A_16] : memref<2048x128xf32, #tpu.memory_space<hbm>> -> memref<64x128xf32, #tpu.memory_space<hbm>>
      %dma_wait3A_18 = arith.constant 0 : i32
      %dma_wait3A_19 = tpu.memref_slice %arg5[%mul3A_2, %dma_wait3A_18] : memref<2048x128xf32, #tpu.memory_space<hbm>> -> memref<64x128xf32, #tpu.memory_space<hbm>>
      tpu.wait_dma2 semaphore(%run_scoped3A : memref<!tpu.dma_semaphore, #tpu.memory_space<semaphore_mem>>) src(%arg7 : memref<64x128xf32, #tpu.memory_space<vmem>>) dst(%dma_wait3A_19 : memref<64x128xf32, #tpu.memory_space<hbm>>)
      tpu.yield
    }) : () -> ()
    return
  }
}

module attributes {stable_mosaic.version = 14 : i64} {
  func.func @_l1_argmin_body(%arg0: i32, %arg1: i32, %arg2: memref<128x128xf32, #tpu.memory_space<vmem>>, %arg3: memref<128x2048xf32, #tpu.memory_space<vmem>>, %arg4: memref<1x128x1xi32, #tpu.memory_space<vmem>>, %arg5: memref<128x1xf32, #tpu.memory_space<vmem>>, %arg6: memref<128x1xi32, #tpu.memory_space<vmem>>) attributes {dimension_semantics = [#tpu.dimension_semantics<parallel>, #tpu.dimension_semantics<arbitrary>], iteration_bounds = array<i64: 16, 4>, scalar_prefetch = 0 : i64, scratch_operands = 2 : i64, tpu.core_type = #tpu.core_type<tc>, window_params = [{transform_indices = @transform_0, window_bounds = array<i64: 128, 128>}, {transform_indices = @transform_1, window_bounds = array<i64: 128, 2048>}, {transform_indices = @transform_2, window_bounds = array<i64: 1, 128, 1>}]} {
    %get3A = arith.constant 0 : index
    %get3A_0 = arith.constant 0 : index
    %get3A_1 = vector.load %arg2[%get3A, %get3A_0] : memref<128x128xf32, #tpu.memory_space<vmem>>, vector<128x128xf32>
    %get3A_2 = arith.constant 0 : index
    %get3A_3 = arith.constant 0 : index
    %get3A_4 = vector.load %arg3[%get3A_2, %get3A_3] : memref<128x2048xf32, #tpu.memory_space<vmem>>, vector<128x2048xf32>
    %reduce_sum3A = arith.constant dense<0.000000e+00> : vector<2048xf32>
    %reduce_sum3A_5 = vector.multi_reduction <add>, %get3A_4, %reduce_sum3A [0] : vector<128x2048xf32> to vector<2048xf32>
    %broadcast_in_dim3A = vector.shape_cast %reduce_sum3A_5 : vector<2048xf32> to vector<1x2048xf32>
    %mul3A = arith.constant 5.000000e-01 : f32
    %mul3A_6 = vector.broadcast %mul3A : f32 to vector<1x2048xf32>
    %mul3A_7 = arith.mulf %broadcast_in_dim3A, %mul3A_6 : vector<1x2048xf32>
    %broadcast_in_dim3A_8 = arith.constant 0.000000e+00 : f32
    %broadcast_in_dim3A_9 = vector.broadcast %broadcast_in_dim3A_8 : f32 to vector<128x2048xf32>
    %slice3A = vector.extract_strided_slice %get3A_1 {offsets = [0, 0], sizes = [128, 1], strides = [1, 1]} : vector<128x128xf32> to vector<128x1xf32>
    %get3A_10 = arith.constant 0 : index
    %get3A_11 = arith.constant 0 : index
    %get3A_12 = vector.load %arg3[%get3A_10, %get3A_11] : memref<128x2048xf32, #tpu.memory_space<vmem>>, vector<1x2048xf32>
    %max3A = vector.broadcast %slice3A : vector<128x1xf32> to vector<128x2048xf32>
    %max3A_13 = vector.broadcast %get3A_12 : vector<1x2048xf32> to vector<128x2048xf32>
    %max3A_14 = arith.maximumf %max3A, %max3A_13 : vector<128x2048xf32>
    %add3A = arith.addf %broadcast_in_dim3A_9, %max3A_14 : vector<128x2048xf32>
    %slice3A_15 = vector.extract_strided_slice %get3A_1 {offsets = [0, 1], sizes = [128, 1], strides = [1, 1]} : vector<128x128xf32> to vector<128x1xf32>
    %get3A_16 = arith.constant 1 : index
    %get3A_17 = arith.constant 0 : index
    %get3A_18 = vector.load %arg3[%get3A_16, %get3A_17] : memref<128x2048xf32, #tpu.memory_space<vmem>>, vector<1x2048xf32>
    %max3A_19 = vector.broadcast %slice3A_15 : vector<128x1xf32> to vector<128x2048xf32>
    %max3A_20 = vector.broadcast %get3A_18 : vector<1x2048xf32> to vector<128x2048xf32>
    %max3A_21 = arith.maximumf %max3A_19, %max3A_20 : vector<128x2048xf32>
    %add3A_22 = arith.addf %add3A, %max3A_21 : vector<128x2048xf32>
    %slice3A_23 = vector.extract_strided_slice %get3A_1 {offsets = [0, 2], sizes = [128, 1], strides = [1, 1]} : vector<128x128xf32> to vector<128x1xf32>
    %get3A_24 = arith.constant 2 : index
    %get3A_25 = arith.constant 0 : index
    %get3A_26 = vector.load %arg3[%get3A_24, %get3A_25] : memref<128x2048xf32, #tpu.memory_space<vmem>>, vector<1x2048xf32>
    %max3A_27 = vector.broadcast %slice3A_23 : vector<128x1xf32> to vector<128x2048xf32>
    %max3A_28 = vector.broadcast %get3A_26 : vector<1x2048xf32> to vector<128x2048xf32>
    %max3A_29 = arith.maximumf %max3A_27, %max3A_28 : vector<128x2048xf32>
    %add3A_30 = arith.addf %add3A_22, %max3A_29 : vector<128x2048xf32>
    %slice3A_31 = vector.extract_strided_slice %get3A_1 {offsets = [0, 3], sizes = [128, 1], strides = [1, 1]} : vector<128x128xf32> to vector<128x1xf32>
    %get3A_32 = arith.constant 3 : index
    %get3A_33 = arith.constant 0 : index
    %get3A_34 = vector.load %arg3[%get3A_32, %get3A_33] : memref<128x2048xf32, #tpu.memory_space<vmem>>, vector<1x2048xf32>
    %max3A_35 = vector.broadcast %slice3A_31 : vector<128x1xf32> to vector<128x2048xf32>
    %max3A_36 = vector.broadcast %get3A_34 : vector<1x2048xf32> to vector<128x2048xf32>
    %max3A_37 = arith.maximumf %max3A_35, %max3A_36 : vector<128x2048xf32>
    %add3A_38 = arith.addf %add3A_30, %max3A_37 : vector<128x2048xf32>
    %slice3A_39 = vector.extract_strided_slice %get3A_1 {offsets = [0, 4], sizes = [128, 1], strides = [1, 1]} : vector<128x128xf32> to vector<128x1xf32>
    %get3A_40 = arith.constant 4 : index
    %get3A_41 = arith.constant 0 : index
    %get3A_42 = vector.load %arg3[%get3A_40, %get3A_41] : memref<128x2048xf32, #tpu.memory_space<vmem>>, vector<1x2048xf32>
    %max3A_43 = vector.broadcast %slice3A_39 : vector<128x1xf32> to vector<128x2048xf32>
    %max3A_44 = vector.broadcast %get3A_42 : vector<1x2048xf32> to vector<128x2048xf32>
    %max3A_45 = arith.maximumf %max3A_43, %max3A_44 : vector<128x2048xf32>
    %add3A_46 = arith.addf %add3A_38, %max3A_45 : vector<128x2048xf32>
    %slice3A_47 = vector.extract_strided_slice %get3A_1 {offsets = [0, 5], sizes = [128, 1], strides = [1, 1]} : vector<128x128xf32> to vector<128x1xf32>
    %get3A_48 = arith.constant 5 : index
    %get3A_49 = arith.constant 0 : index
    %get3A_50 = vector.load %arg3[%get3A_48, %get3A_49] : memref<128x2048xf32, #tpu.memory_space<vmem>>, vector<1x2048xf32>
    %max3A_51 = vector.broadcast %slice3A_47 : vector<128x1xf32> to vector<128x2048xf32>
    %max3A_52 = vector.broadcast %get3A_50 : vector<1x2048xf32> to vector<128x2048xf32>
    %max3A_53 = arith.maximumf %max3A_51, %max3A_52 : vector<128x2048xf32>
    %add3A_54 = arith.addf %add3A_46, %max3A_53 : vector<128x2048xf32>
    %slice3A_55 = vector.extract_strided_slice %get3A_1 {offsets = [0, 6], sizes = [128, 1], strides = [1, 1]} : vector<128x128xf32> to vector<128x1xf32>
    %get3A_56 = arith.constant 6 : index
    %get3A_57 = arith.constant 0 : index
    %get3A_58 = vector.load %arg3[%get3A_56, %get3A_57] : memref<128x2048xf32, #tpu.memory_space<vmem>>, vector<1x2048xf32>
    %max3A_59 = vector.broadcast %slice3A_55 : vector<128x1xf32> to vector<128x2048xf32>
    %max3A_60 = vector.broadcast %get3A_58 : vector<1x2048xf32> to vector<128x2048xf32>
    %max3A_61 = arith.maximumf %max3A_59, %max3A_60 : vector<128x2048xf32>
    %add3A_62 = arith.addf %add3A_54, %max3A_61 : vector<128x2048xf32>
    %slice3A_63 = vector.extract_strided_slice %get3A_1 {offsets = [0, 7], sizes = [128, 1], strides = [1, 1]} : vector<128x128xf32> to vector<128x1xf32>
    %get3A_64 = arith.constant 7 : index
    %get3A_65 = arith.constant 0 : index
    %get3A_66 = vector.load %arg3[%get3A_64, %get3A_65] : memref<128x2048xf32, #tpu.memory_space<vmem>>, vector<1x2048xf32>
    %max3A_67 = vector.broadcast %slice3A_63 : vector<128x1xf32> to vector<128x2048xf32>
    %max3A_68 = vector.broadcast %get3A_66 : vector<1x2048xf32> to vector<128x2048xf32>
    %max3A_69 = arith.maximumf %max3A_67, %max3A_68 : vector<128x2048xf32>
    %add3A_70 = arith.addf %add3A_62, %max3A_69 : vector<128x2048xf32>
    %slice3A_71 = vector.extract_strided_slice %get3A_1 {offsets = [0, 8], sizes = [128, 1], strides = [1, 1]} : vector<128x128xf32> to vector<128x1xf32>
    %get3A_72 = arith.constant 8 : index
    %get3A_73 = arith.constant 0 : index
    %get3A_74 = vector.load %arg3[%get3A_72, %get3A_73] : memref<128x2048xf32, #tpu.memory_space<vmem>>, vector<1x2048xf32>
    %max3A_75 = vector.broadcast %slice3A_71 : vector<128x1xf32> to vector<128x2048xf32>
    %max3A_76 = vector.broadcast %get3A_74 : vector<1x2048xf32> to vector<128x2048xf32>
    %max3A_77 = arith.maximumf %max3A_75, %max3A_76 : vector<128x2048xf32>
    %add3A_78 = arith.addf %add3A_70, %max3A_77 : vector<128x2048xf32>
    %slice3A_79 = vector.extract_strided_slice %get3A_1 {offsets = [0, 9], sizes = [128, 1], strides = [1, 1]} : vector<128x128xf32> to vector<128x1xf32>
    %get3A_80 = arith.constant 9 : index
    %get3A_81 = arith.constant 0 : index
    %get3A_82 = vector.load %arg3[%get3A_80, %get3A_81] : memref<128x2048xf32, #tpu.memory_space<vmem>>, vector<1x2048xf32>
    %max3A_83 = vector.broadcast %slice3A_79 : vector<128x1xf32> to vector<128x2048xf32>
    %max3A_84 = vector.broadcast %get3A_82 : vector<1x2048xf32> to vector<128x2048xf32>
    %max3A_85 = arith.maximumf %max3A_83, %max3A_84 : vector<128x2048xf32>
    %add3A_86 = arith.addf %add3A_78, %max3A_85 : vector<128x2048xf32>
    %slice3A_87 = vector.extract_strided_slice %get3A_1 {offsets = [0, 10], sizes = [128, 1], strides = [1, 1]} : vector<128x128xf32> to vector<128x1xf32>
    %get3A_88 = arith.constant 10 : index
    %get3A_89 = arith.constant 0 : index
    %get3A_90 = vector.load %arg3[%get3A_88, %get3A_89] : memref<128x2048xf32, #tpu.memory_space<vmem>>, vector<1x2048xf32>
    %max3A_91 = vector.broadcast %slice3A_87 : vector<128x1xf32> to vector<128x2048xf32>
    %max3A_92 = vector.broadcast %get3A_90 : vector<1x2048xf32> to vector<128x2048xf32>
    %max3A_93 = arith.maximumf %max3A_91, %max3A_92 : vector<128x2048xf32>
    %add3A_94 = arith.addf %add3A_86, %max3A_93 : vector<128x2048xf32>
    %slice3A_95 = vector.extract_strided_slice %get3A_1 {offsets = [0, 11], sizes = [128, 1], strides = [1, 1]} : vector<128x128xf32> to vector<128x1xf32>
    %get3A_96 = arith.constant 11 : index
    %get3A_97 = arith.constant 0 : index
    %get3A_98 = vector.load %arg3[%get3A_96, %get3A_97] : memref<128x2048xf32, #tpu.memory_space<vmem>>, vector<1x2048xf32>
    %max3A_99 = vector.broadcast %slice3A_95 : vector<128x1xf32> to vector<128x2048xf32>
    %max3A_100 = vector.broadcast %get3A_98 : vector<1x2048xf32> to vector<128x2048xf32>
    %max3A_101 = arith.maximumf %max3A_99, %max3A_100 : vector<128x2048xf32>
    %add3A_102 = arith.addf %add3A_94, %max3A_101 : vector<128x2048xf32>
    %slice3A_103 = vector.extract_strided_slice %get3A_1 {offsets = [0, 12], sizes = [128, 1], strides = [1, 1]} : vector<128x128xf32> to vector<128x1xf32>
    %get3A_104 = arith.constant 12 : index
    %get3A_105 = arith.constant 0 : index
    %get3A_106 = vector.load %arg3[%get3A_104, %get3A_105] : memref<128x2048xf32, #tpu.memory_space<vmem>>, vector<1x2048xf32>
    %max3A_107 = vector.broadcast %slice3A_103 : vector<128x1xf32> to vector<128x2048xf32>
    %max3A_108 = vector.broadcast %get3A_106 : vector<1x2048xf32> to vector<128x2048xf32>
    %max3A_109 = arith.maximumf %max3A_107, %max3A_108 : vector<128x2048xf32>
    %add3A_110 = arith.addf %add3A_102, %max3A_109 : vector<128x2048xf32>
    %slice3A_111 = vector.extract_strided_slice %get3A_1 {offsets = [0, 13], sizes = [128, 1], strides = [1, 1]} : vector<128x128xf32> to vector<128x1xf32>
    %get3A_112 = arith.constant 13 : index
    %get3A_113 = arith.constant 0 : index
    %get3A_114 = vector.load %arg3[%get3A_112, %get3A_113] : memref<128x2048xf32, #tpu.memory_space<vmem>>, vector<1x2048xf32>
    %max3A_115 = vector.broadcast %slice3A_111 : vector<128x1xf32> to vector<128x2048xf32>
    %max3A_116 = vector.broadcast %get3A_114 : vector<1x2048xf32> to vector<128x2048xf32>
    %max3A_117 = arith.maximumf %max3A_115, %max3A_116 : vector<128x2048xf32>
    %add3A_118 = arith.addf %add3A_110, %max3A_117 : vector<128x2048xf32>
    %slice3A_119 = vector.extract_strided_slice %get3A_1 {offsets = [0, 14], sizes = [128, 1], strides = [1, 1]} : vector<128x128xf32> to vector<128x1xf32>
    %get3A_120 = arith.constant 14 : index
    %get3A_121 = arith.constant 0 : index
    %get3A_122 = vector.load %arg3[%get3A_120, %get3A_121] : memref<128x2048xf32, #tpu.memory_space<vmem>>, vector<1x2048xf32>
    %max3A_123 = vector.broadcast %slice3A_119 : vector<128x1xf32> to vector<128x2048xf32>
    %max3A_124 = vector.broadcast %get3A_122 : vector<1x2048xf32> to vector<128x2048xf32>
    %max3A_125 = arith.maximumf %max3A_123, %max3A_124 : vector<128x2048xf32>
    %add3A_126 = arith.addf %add3A_118, %max3A_125 : vector<128x2048xf32>
    %slice3A_127 = vector.extract_strided_slice %get3A_1 {offsets = [0, 15], sizes = [128, 1], strides = [1, 1]} : vector<128x128xf32> to vector<128x1xf32>
    %get3A_128 = arith.constant 15 : index
    %get3A_129 = arith.constant 0 : index
    %get3A_130 = vector.load %arg3[%get3A_128, %get3A_129] : memref<128x2048xf32, #tpu.memory_space<vmem>>, vector<1x2048xf32>
    %max3A_131 = vector.broadcast %slice3A_127 : vector<128x1xf32> to vector<128x2048xf32>
    %max3A_132 = vector.broadcast %get3A_130 : vector<1x2048xf32> to vector<128x2048xf32>
    %max3A_133 = arith.maximumf %max3A_131, %max3A_132 : vector<128x2048xf32>
    %add3A_134 = arith.addf %add3A_126, %max3A_133 : vector<128x2048xf32>
    %slice3A_135 = vector.extract_strided_slice %get3A_1 {offsets = [0, 16], sizes = [128, 1], strides = [1, 1]} : vector<128x128xf32> to vector<128x1xf32>
    %get3A_136 = arith.constant 16 : index
    %get3A_137 = arith.constant 0 : index
    %get3A_138 = vector.load %arg3[%get3A_136, %get3A_137] : memref<128x2048xf32, #tpu.memory_space<vmem>>, vector<1x2048xf32>
    %max3A_139 = vector.broadcast %slice3A_135 : vector<128x1xf32> to vector<128x2048xf32>
    %max3A_140 = vector.broadcast %get3A_138 : vector<1x2048xf32> to vector<128x2048xf32>
    %max3A_141 = arith.maximumf %max3A_139, %max3A_140 : vector<128x2048xf32>
    %add3A_142 = arith.addf %add3A_134, %max3A_141 : vector<128x2048xf32>
    %slice3A_143 = vector.extract_strided_slice %get3A_1 {offsets = [0, 17], sizes = [128, 1], strides = [1, 1]} : vector<128x128xf32> to vector<128x1xf32>
    %get3A_144 = arith.constant 17 : index
    %get3A_145 = arith.constant 0 : index
    %get3A_146 = vector.load %arg3[%get3A_144, %get3A_145] : memref<128x2048xf32, #tpu.memory_space<vmem>>, vector<1x2048xf32>
    %max3A_147 = vector.broadcast %slice3A_143 : vector<128x1xf32> to vector<128x2048xf32>
    %max3A_148 = vector.broadcast %get3A_146 : vector<1x2048xf32> to vector<128x2048xf32>
    %max3A_149 = arith.maximumf %max3A_147, %max3A_148 : vector<128x2048xf32>
    %add3A_150 = arith.addf %add3A_142, %max3A_149 : vector<128x2048xf32>
    %slice3A_151 = vector.extract_strided_slice %get3A_1 {offsets = [0, 18], sizes = [128, 1], strides = [1, 1]} : vector<128x128xf32> to vector<128x1xf32>
    %get3A_152 = arith.constant 18 : index
    %get3A_153 = arith.constant 0 : index
    %get3A_154 = vector.load %arg3[%get3A_152, %get3A_153] : memref<128x2048xf32, #tpu.memory_space<vmem>>, vector<1x2048xf32>
    %max3A_155 = vector.broadcast %slice3A_151 : vector<128x1xf32> to vector<128x2048xf32>
    %max3A_156 = vector.broadcast %get3A_154 : vector<1x2048xf32> to vector<128x2048xf32>
    %max3A_157 = arith.maximumf %max3A_155, %max3A_156 : vector<128x2048xf32>
    %add3A_158 = arith.addf %add3A_150, %max3A_157 : vector<128x2048xf32>
    %slice3A_159 = vector.extract_strided_slice %get3A_1 {offsets = [0, 19], sizes = [128, 1], strides = [1, 1]} : vector<128x128xf32> to vector<128x1xf32>
    %get3A_160 = arith.constant 19 : index
    %get3A_161 = arith.constant 0 : index
    %get3A_162 = vector.load %arg3[%get3A_160, %get3A_161] : memref<128x2048xf32, #tpu.memory_space<vmem>>, vector<1x2048xf32>
    %max3A_163 = vector.broadcast %slice3A_159 : vector<128x1xf32> to vector<128x2048xf32>
    %max3A_164 = vector.broadcast %get3A_162 : vector<1x2048xf32> to vector<128x2048xf32>
    %max3A_165 = arith.maximumf %max3A_163, %max3A_164 : vector<128x2048xf32>
    %add3A_166 = arith.addf %add3A_158, %max3A_165 : vector<128x2048xf32>
    %slice3A_167 = vector.extract_strided_slice %get3A_1 {offsets = [0, 20], sizes = [128, 1], strides = [1, 1]} : vector<128x128xf32> to vector<128x1xf32>
    %get3A_168 = arith.constant 20 : index
    %get3A_169 = arith.constant 0 : index
    %get3A_170 = vector.load %arg3[%get3A_168, %get3A_169] : memref<128x2048xf32, #tpu.memory_space<vmem>>, vector<1x2048xf32>
    %max3A_171 = vector.broadcast %slice3A_167 : vector<128x1xf32> to vector<128x2048xf32>
    %max3A_172 = vector.broadcast %get3A_170 : vector<1x2048xf32> to vector<128x2048xf32>
    %max3A_173 = arith.maximumf %max3A_171, %max3A_172 : vector<128x2048xf32>
    %add3A_174 = arith.addf %add3A_166, %max3A_173 : vector<128x2048xf32>
    %slice3A_175 = vector.extract_strided_slice %get3A_1 {offsets = [0, 21], sizes = [128, 1], strides = [1, 1]} : vector<128x128xf32> to vector<128x1xf32>
    %get3A_176 = arith.constant 21 : index
    %get3A_177 = arith.constant 0 : index
    %get3A_178 = vector.load %arg3[%get3A_176, %get3A_177] : memref<128x2048xf32, #tpu.memory_space<vmem>>, vector<1x2048xf32>
    %max3A_179 = vector.broadcast %slice3A_175 : vector<128x1xf32> to vector<128x2048xf32>
    %max3A_180 = vector.broadcast %get3A_178 : vector<1x2048xf32> to vector<128x2048xf32>
    %max3A_181 = arith.maximumf %max3A_179, %max3A_180 : vector<128x2048xf32>
    %add3A_182 = arith.addf %add3A_174, %max3A_181 : vector<128x2048xf32>
    %slice3A_183 = vector.extract_strided_slice %get3A_1 {offsets = [0, 22], sizes = [128, 1], strides = [1, 1]} : vector<128x128xf32> to vector<128x1xf32>
    %get3A_184 = arith.constant 22 : index
    %get3A_185 = arith.constant 0 : index
    %get3A_186 = vector.load %arg3[%get3A_184, %get3A_185] : memref<128x2048xf32, #tpu.memory_space<vmem>>, vector<1x2048xf32>
    %max3A_187 = vector.broadcast %slice3A_183 : vector<128x1xf32> to vector<128x2048xf32>
    %max3A_188 = vector.broadcast %get3A_186 : vector<1x2048xf32> to vector<128x2048xf32>
    %max3A_189 = arith.maximumf %max3A_187, %max3A_188 : vector<128x2048xf32>
    %add3A_190 = arith.addf %add3A_182, %max3A_189 : vector<128x2048xf32>
    %slice3A_191 = vector.extract_strided_slice %get3A_1 {offsets = [0, 23], sizes = [128, 1], strides = [1, 1]} : vector<128x128xf32> to vector<128x1xf32>
    %get3A_192 = arith.constant 23 : index
    %get3A_193 = arith.constant 0 : index
    %get3A_194 = vector.load %arg3[%get3A_192, %get3A_193] : memref<128x2048xf32, #tpu.memory_space<vmem>>, vector<1x2048xf32>
    %max3A_195 = vector.broadcast %slice3A_191 : vector<128x1xf32> to vector<128x2048xf32>
    %max3A_196 = vector.broadcast %get3A_194 : vector<1x2048xf32> to vector<128x2048xf32>
    %max3A_197 = arith.maximumf %max3A_195, %max3A_196 : vector<128x2048xf32>
    %add3A_198 = arith.addf %add3A_190, %max3A_197 : vector<128x2048xf32>
    %slice3A_199 = vector.extract_strided_slice %get3A_1 {offsets = [0, 24], sizes = [128, 1], strides = [1, 1]} : vector<128x128xf32> to vector<128x1xf32>
    %get3A_200 = arith.constant 24 : index
    %get3A_201 = arith.constant 0 : index
    %get3A_202 = vector.load %arg3[%get3A_200, %get3A_201] : memref<128x2048xf32, #tpu.memory_space<vmem>>, vector<1x2048xf32>
    %max3A_203 = vector.broadcast %slice3A_199 : vector<128x1xf32> to vector<128x2048xf32>
    %max3A_204 = vector.broadcast %get3A_202 : vector<1x2048xf32> to vector<128x2048xf32>
    %max3A_205 = arith.maximumf %max3A_203, %max3A_204 : vector<128x2048xf32>
    %add3A_206 = arith.addf %add3A_198, %max3A_205 : vector<128x2048xf32>
    %slice3A_207 = vector.extract_strided_slice %get3A_1 {offsets = [0, 25], sizes = [128, 1], strides = [1, 1]} : vector<128x128xf32> to vector<128x1xf32>
    %get3A_208 = arith.constant 25 : index
    %get3A_209 = arith.constant 0 : index
    %get3A_210 = vector.load %arg3[%get3A_208, %get3A_209] : memref<128x2048xf32, #tpu.memory_space<vmem>>, vector<1x2048xf32>
    %max3A_211 = vector.broadcast %slice3A_207 : vector<128x1xf32> to vector<128x2048xf32>
    %max3A_212 = vector.broadcast %get3A_210 : vector<1x2048xf32> to vector<128x2048xf32>
    %max3A_213 = arith.maximumf %max3A_211, %max3A_212 : vector<128x2048xf32>
    %add3A_214 = arith.addf %add3A_206, %max3A_213 : vector<128x2048xf32>
    %slice3A_215 = vector.extract_strided_slice %get3A_1 {offsets = [0, 26], sizes = [128, 1], strides = [1, 1]} : vector<128x128xf32> to vector<128x1xf32>
    %get3A_216 = arith.constant 26 : index
    %get3A_217 = arith.constant 0 : index
    %get3A_218 = vector.load %arg3[%get3A_216, %get3A_217] : memref<128x2048xf32, #tpu.memory_space<vmem>>, vector<1x2048xf32>
    %max3A_219 = vector.broadcast %slice3A_215 : vector<128x1xf32> to vector<128x2048xf32>
    %max3A_220 = vector.broadcast %get3A_218 : vector<1x2048xf32> to vector<128x2048xf32>
    %max3A_221 = arith.maximumf %max3A_219, %max3A_220 : vector<128x2048xf32>
    %add3A_222 = arith.addf %add3A_214, %max3A_221 : vector<128x2048xf32>
    %slice3A_223 = vector.extract_strided_slice %get3A_1 {offsets = [0, 27], sizes = [128, 1], strides = [1, 1]} : vector<128x128xf32> to vector<128x1xf32>
    %get3A_224 = arith.constant 27 : index
    %get3A_225 = arith.constant 0 : index
    %get3A_226 = vector.load %arg3[%get3A_224, %get3A_225] : memref<128x2048xf32, #tpu.memory_space<vmem>>, vector<1x2048xf32>
    %max3A_227 = vector.broadcast %slice3A_223 : vector<128x1xf32> to vector<128x2048xf32>
    %max3A_228 = vector.broadcast %get3A_226 : vector<1x2048xf32> to vector<128x2048xf32>
    %max3A_229 = arith.maximumf %max3A_227, %max3A_228 : vector<128x2048xf32>
    %add3A_230 = arith.addf %add3A_222, %max3A_229 : vector<128x2048xf32>
    %slice3A_231 = vector.extract_strided_slice %get3A_1 {offsets = [0, 28], sizes = [128, 1], strides = [1, 1]} : vector<128x128xf32> to vector<128x1xf32>
    %get3A_232 = arith.constant 28 : index
    %get3A_233 = arith.constant 0 : index
    %get3A_234 = vector.load %arg3[%get3A_232, %get3A_233] : memref<128x2048xf32, #tpu.memory_space<vmem>>, vector<1x2048xf32>
    %max3A_235 = vector.broadcast %slice3A_231 : vector<128x1xf32> to vector<128x2048xf32>
    %max3A_236 = vector.broadcast %get3A_234 : vector<1x2048xf32> to vector<128x2048xf32>
    %max3A_237 = arith.maximumf %max3A_235, %max3A_236 : vector<128x2048xf32>
    %add3A_238 = arith.addf %add3A_230, %max3A_237 : vector<128x2048xf32>
    %slice3A_239 = vector.extract_strided_slice %get3A_1 {offsets = [0, 29], sizes = [128, 1], strides = [1, 1]} : vector<128x128xf32> to vector<128x1xf32>
    %get3A_240 = arith.constant 29 : index
    %get3A_241 = arith.constant 0 : index
    %get3A_242 = vector.load %arg3[%get3A_240, %get3A_241] : memref<128x2048xf32, #tpu.memory_space<vmem>>, vector<1x2048xf32>
    %max3A_243 = vector.broadcast %slice3A_239 : vector<128x1xf32> to vector<128x2048xf32>
    %max3A_244 = vector.broadcast %get3A_242 : vector<1x2048xf32> to vector<128x2048xf32>
    %max3A_245 = arith.maximumf %max3A_243, %max3A_244 : vector<128x2048xf32>
    %add3A_246 = arith.addf %add3A_238, %max3A_245 : vector<128x2048xf32>
    %slice3A_247 = vector.extract_strided_slice %get3A_1 {offsets = [0, 30], sizes = [128, 1], strides = [1, 1]} : vector<128x128xf32> to vector<128x1xf32>
    %get3A_248 = arith.constant 30 : index
    %get3A_249 = arith.constant 0 : index
    %get3A_250 = vector.load %arg3[%get3A_248, %get3A_249] : memref<128x2048xf32, #tpu.memory_space<vmem>>, vector<1x2048xf32>
    %max3A_251 = vector.broadcast %slice3A_247 : vector<128x1xf32> to vector<128x2048xf32>
    %max3A_252 = vector.broadcast %get3A_250 : vector<1x2048xf32> to vector<128x2048xf32>
    %max3A_253 = arith.maximumf %max3A_251, %max3A_252 : vector<128x2048xf32>
    %add3A_254 = arith.addf %add3A_246, %max3A_253 : vector<128x2048xf32>
    %slice3A_255 = vector.extract_strided_slice %get3A_1 {offsets = [0, 31], sizes = [128, 1], strides = [1, 1]} : vector<128x128xf32> to vector<128x1xf32>
    %get3A_256 = arith.constant 31 : index
    %get3A_257 = arith.constant 0 : index
    %get3A_258 = vector.load %arg3[%get3A_256, %get3A_257] : memref<128x2048xf32, #tpu.memory_space<vmem>>, vector<1x2048xf32>
    %max3A_259 = vector.broadcast %slice3A_255 : vector<128x1xf32> to vector<128x2048xf32>
    %max3A_260 = vector.broadcast %get3A_258 : vector<1x2048xf32> to vector<128x2048xf32>
    %max3A_261 = arith.maximumf %max3A_259, %max3A_260 : vector<128x2048xf32>
    %add3A_262 = arith.addf %add3A_254, %max3A_261 : vector<128x2048xf32>
    %broadcast_in_dim3A_263 = arith.constant 0.000000e+00 : f32
    %broadcast_in_dim3A_264 = vector.broadcast %broadcast_in_dim3A_263 : f32 to vector<128x2048xf32>
    %slice3A_265 = vector.extract_strided_slice %get3A_1 {offsets = [0, 32], sizes = [128, 1], strides = [1, 1]} : vector<128x128xf32> to vector<128x1xf32>
    %get3A_266 = arith.constant 32 : index
    %get3A_267 = arith.constant 0 : index
    %get3A_268 = vector.load %arg3[%get3A_266, %get3A_267] : memref<128x2048xf32, #tpu.memory_space<vmem>>, vector<1x2048xf32>
    %max3A_269 = vector.broadcast %slice3A_265 : vector<128x1xf32> to vector<128x2048xf32>
    %max3A_270 = vector.broadcast %get3A_268 : vector<1x2048xf32> to vector<128x2048xf32>
    %max3A_271 = arith.maximumf %max3A_269, %max3A_270 : vector<128x2048xf32>
    %add3A_272 = arith.addf %broadcast_in_dim3A_264, %max3A_271 : vector<128x2048xf32>
    %slice3A_273 = vector.extract_strided_slice %get3A_1 {offsets = [0, 33], sizes = [128, 1], strides = [1, 1]} : vector<128x128xf32> to vector<128x1xf32>
    %get3A_274 = arith.constant 33 : index
    %get3A_275 = arith.constant 0 : index
    %get3A_276 = vector.load %arg3[%get3A_274, %get3A_275] : memref<128x2048xf32, #tpu.memory_space<vmem>>, vector<1x2048xf32>
    %max3A_277 = vector.broadcast %slice3A_273 : vector<128x1xf32> to vector<128x2048xf32>
    %max3A_278 = vector.broadcast %get3A_276 : vector<1x2048xf32> to vector<128x2048xf32>
    %max3A_279 = arith.maximumf %max3A_277, %max3A_278 : vector<128x2048xf32>
    %add3A_280 = arith.addf %add3A_272, %max3A_279 : vector<128x2048xf32>
    %slice3A_281 = vector.extract_strided_slice %get3A_1 {offsets = [0, 34], sizes = [128, 1], strides = [1, 1]} : vector<128x128xf32> to vector<128x1xf32>
    %get3A_282 = arith.constant 34 : index
    %get3A_283 = arith.constant 0 : index
    %get3A_284 = vector.load %arg3[%get3A_282, %get3A_283] : memref<128x2048xf32, #tpu.memory_space<vmem>>, vector<1x2048xf32>
    %max3A_285 = vector.broadcast %slice3A_281 : vector<128x1xf32> to vector<128x2048xf32>
    %max3A_286 = vector.broadcast %get3A_284 : vector<1x2048xf32> to vector<128x2048xf32>
    %max3A_287 = arith.maximumf %max3A_285, %max3A_286 : vector<128x2048xf32>
    %add3A_288 = arith.addf %add3A_280, %max3A_287 : vector<128x2048xf32>
    %slice3A_289 = vector.extract_strided_slice %get3A_1 {offsets = [0, 35], sizes = [128, 1], strides = [1, 1]} : vector<128x128xf32> to vector<128x1xf32>
    %get3A_290 = arith.constant 35 : index
    %get3A_291 = arith.constant 0 : index
    %get3A_292 = vector.load %arg3[%get3A_290, %get3A_291] : memref<128x2048xf32, #tpu.memory_space<vmem>>, vector<1x2048xf32>
    %max3A_293 = vector.broadcast %slice3A_289 : vector<128x1xf32> to vector<128x2048xf32>
    %max3A_294 = vector.broadcast %get3A_292 : vector<1x2048xf32> to vector<128x2048xf32>
    %max3A_295 = arith.maximumf %max3A_293, %max3A_294 : vector<128x2048xf32>
    %add3A_296 = arith.addf %add3A_288, %max3A_295 : vector<128x2048xf32>
    %slice3A_297 = vector.extract_strided_slice %get3A_1 {offsets = [0, 36], sizes = [128, 1], strides = [1, 1]} : vector<128x128xf32> to vector<128x1xf32>
    %get3A_298 = arith.constant 36 : index
    %get3A_299 = arith.constant 0 : index
    %get3A_300 = vector.load %arg3[%get3A_298, %get3A_299] : memref<128x2048xf32, #tpu.memory_space<vmem>>, vector<1x2048xf32>
    %max3A_301 = vector.broadcast %slice3A_297 : vector<128x1xf32> to vector<128x2048xf32>
    %max3A_302 = vector.broadcast %get3A_300 : vector<1x2048xf32> to vector<128x2048xf32>
    %max3A_303 = arith.maximumf %max3A_301, %max3A_302 : vector<128x2048xf32>
    %add3A_304 = arith.addf %add3A_296, %max3A_303 : vector<128x2048xf32>
    %slice3A_305 = vector.extract_strided_slice %get3A_1 {offsets = [0, 37], sizes = [128, 1], strides = [1, 1]} : vector<128x128xf32> to vector<128x1xf32>
    %get3A_306 = arith.constant 37 : index
    %get3A_307 = arith.constant 0 : index
    %get3A_308 = vector.load %arg3[%get3A_306, %get3A_307] : memref<128x2048xf32, #tpu.memory_space<vmem>>, vector<1x2048xf32>
    %max3A_309 = vector.broadcast %slice3A_305 : vector<128x1xf32> to vector<128x2048xf32>
    %max3A_310 = vector.broadcast %get3A_308 : vector<1x2048xf32> to vector<128x2048xf32>
    %max3A_311 = arith.maximumf %max3A_309, %max3A_310 : vector<128x2048xf32>
    %add3A_312 = arith.addf %add3A_304, %max3A_311 : vector<128x2048xf32>
    %slice3A_313 = vector.extract_strided_slice %get3A_1 {offsets = [0, 38], sizes = [128, 1], strides = [1, 1]} : vector<128x128xf32> to vector<128x1xf32>
    %get3A_314 = arith.constant 38 : index
    %get3A_315 = arith.constant 0 : index
    %get3A_316 = vector.load %arg3[%get3A_314, %get3A_315] : memref<128x2048xf32, #tpu.memory_space<vmem>>, vector<1x2048xf32>
    %max3A_317 = vector.broadcast %slice3A_313 : vector<128x1xf32> to vector<128x2048xf32>
    %max3A_318 = vector.broadcast %get3A_316 : vector<1x2048xf32> to vector<128x2048xf32>
    %max3A_319 = arith.maximumf %max3A_317, %max3A_318 : vector<128x2048xf32>
    %add3A_320 = arith.addf %add3A_312, %max3A_319 : vector<128x2048xf32>
    %slice3A_321 = vector.extract_strided_slice %get3A_1 {offsets = [0, 39], sizes = [128, 1], strides = [1, 1]} : vector<128x128xf32> to vector<128x1xf32>
    %get3A_322 = arith.constant 39 : index
    %get3A_323 = arith.constant 0 : index
    %get3A_324 = vector.load %arg3[%get3A_322, %get3A_323] : memref<128x2048xf32, #tpu.memory_space<vmem>>, vector<1x2048xf32>
    %max3A_325 = vector.broadcast %slice3A_321 : vector<128x1xf32> to vector<128x2048xf32>
    %max3A_326 = vector.broadcast %get3A_324 : vector<1x2048xf32> to vector<128x2048xf32>
    %max3A_327 = arith.maximumf %max3A_325, %max3A_326 : vector<128x2048xf32>
    %add3A_328 = arith.addf %add3A_320, %max3A_327 : vector<128x2048xf32>
    %slice3A_329 = vector.extract_strided_slice %get3A_1 {offsets = [0, 40], sizes = [128, 1], strides = [1, 1]} : vector<128x128xf32> to vector<128x1xf32>
    %get3A_330 = arith.constant 40 : index
    %get3A_331 = arith.constant 0 : index
    %get3A_332 = vector.load %arg3[%get3A_330, %get3A_331] : memref<128x2048xf32, #tpu.memory_space<vmem>>, vector<1x2048xf32>
    %max3A_333 = vector.broadcast %slice3A_329 : vector<128x1xf32> to vector<128x2048xf32>
    %max3A_334 = vector.broadcast %get3A_332 : vector<1x2048xf32> to vector<128x2048xf32>
    %max3A_335 = arith.maximumf %max3A_333, %max3A_334 : vector<128x2048xf32>
    %add3A_336 = arith.addf %add3A_328, %max3A_335 : vector<128x2048xf32>
    %slice3A_337 = vector.extract_strided_slice %get3A_1 {offsets = [0, 41], sizes = [128, 1], strides = [1, 1]} : vector<128x128xf32> to vector<128x1xf32>
    %get3A_338 = arith.constant 41 : index
    %get3A_339 = arith.constant 0 : index
    %get3A_340 = vector.load %arg3[%get3A_338, %get3A_339] : memref<128x2048xf32, #tpu.memory_space<vmem>>, vector<1x2048xf32>
    %max3A_341 = vector.broadcast %slice3A_337 : vector<128x1xf32> to vector<128x2048xf32>
    %max3A_342 = vector.broadcast %get3A_340 : vector<1x2048xf32> to vector<128x2048xf32>
    %max3A_343 = arith.maximumf %max3A_341, %max3A_342 : vector<128x2048xf32>
    %add3A_344 = arith.addf %add3A_336, %max3A_343 : vector<128x2048xf32>
    %slice3A_345 = vector.extract_strided_slice %get3A_1 {offsets = [0, 42], sizes = [128, 1], strides = [1, 1]} : vector<128x128xf32> to vector<128x1xf32>
    %get3A_346 = arith.constant 42 : index
    %get3A_347 = arith.constant 0 : index
    %get3A_348 = vector.load %arg3[%get3A_346, %get3A_347] : memref<128x2048xf32, #tpu.memory_space<vmem>>, vector<1x2048xf32>
    %max3A_349 = vector.broadcast %slice3A_345 : vector<128x1xf32> to vector<128x2048xf32>
    %max3A_350 = vector.broadcast %get3A_348 : vector<1x2048xf32> to vector<128x2048xf32>
    %max3A_351 = arith.maximumf %max3A_349, %max3A_350 : vector<128x2048xf32>
    %add3A_352 = arith.addf %add3A_344, %max3A_351 : vector<128x2048xf32>
    %slice3A_353 = vector.extract_strided_slice %get3A_1 {offsets = [0, 43], sizes = [128, 1], strides = [1, 1]} : vector<128x128xf32> to vector<128x1xf32>
    %get3A_354 = arith.constant 43 : index
    %get3A_355 = arith.constant 0 : index
    %get3A_356 = vector.load %arg3[%get3A_354, %get3A_355] : memref<128x2048xf32, #tpu.memory_space<vmem>>, vector<1x2048xf32>
    %max3A_357 = vector.broadcast %slice3A_353 : vector<128x1xf32> to vector<128x2048xf32>
    %max3A_358 = vector.broadcast %get3A_356 : vector<1x2048xf32> to vector<128x2048xf32>
    %max3A_359 = arith.maximumf %max3A_357, %max3A_358 : vector<128x2048xf32>
    %add3A_360 = arith.addf %add3A_352, %max3A_359 : vector<128x2048xf32>
    %slice3A_361 = vector.extract_strided_slice %get3A_1 {offsets = [0, 44], sizes = [128, 1], strides = [1, 1]} : vector<128x128xf32> to vector<128x1xf32>
    %get3A_362 = arith.constant 44 : index
    %get3A_363 = arith.constant 0 : index
    %get3A_364 = vector.load %arg3[%get3A_362, %get3A_363] : memref<128x2048xf32, #tpu.memory_space<vmem>>, vector<1x2048xf32>
    %max3A_365 = vector.broadcast %slice3A_361 : vector<128x1xf32> to vector<128x2048xf32>
    %max3A_366 = vector.broadcast %get3A_364 : vector<1x2048xf32> to vector<128x2048xf32>
    %max3A_367 = arith.maximumf %max3A_365, %max3A_366 : vector<128x2048xf32>
    %add3A_368 = arith.addf %add3A_360, %max3A_367 : vector<128x2048xf32>
    %slice3A_369 = vector.extract_strided_slice %get3A_1 {offsets = [0, 45], sizes = [128, 1], strides = [1, 1]} : vector<128x128xf32> to vector<128x1xf32>
    %get3A_370 = arith.constant 45 : index
    %get3A_371 = arith.constant 0 : index
    %get3A_372 = vector.load %arg3[%get3A_370, %get3A_371] : memref<128x2048xf32, #tpu.memory_space<vmem>>, vector<1x2048xf32>
    %max3A_373 = vector.broadcast %slice3A_369 : vector<128x1xf32> to vector<128x2048xf32>
    %max3A_374 = vector.broadcast %get3A_372 : vector<1x2048xf32> to vector<128x2048xf32>
    %max3A_375 = arith.maximumf %max3A_373, %max3A_374 : vector<128x2048xf32>
    %add3A_376 = arith.addf %add3A_368, %max3A_375 : vector<128x2048xf32>
    %slice3A_377 = vector.extract_strided_slice %get3A_1 {offsets = [0, 46], sizes = [128, 1], strides = [1, 1]} : vector<128x128xf32> to vector<128x1xf32>
    %get3A_378 = arith.constant 46 : index
    %get3A_379 = arith.constant 0 : index
    %get3A_380 = vector.load %arg3[%get3A_378, %get3A_379] : memref<128x2048xf32, #tpu.memory_space<vmem>>, vector<1x2048xf32>
    %max3A_381 = vector.broadcast %slice3A_377 : vector<128x1xf32> to vector<128x2048xf32>
    %max3A_382 = vector.broadcast %get3A_380 : vector<1x2048xf32> to vector<128x2048xf32>
    %max3A_383 = arith.maximumf %max3A_381, %max3A_382 : vector<128x2048xf32>
    %add3A_384 = arith.addf %add3A_376, %max3A_383 : vector<128x2048xf32>
    %slice3A_385 = vector.extract_strided_slice %get3A_1 {offsets = [0, 47], sizes = [128, 1], strides = [1, 1]} : vector<128x128xf32> to vector<128x1xf32>
    %get3A_386 = arith.constant 47 : index
    %get3A_387 = arith.constant 0 : index
    %get3A_388 = vector.load %arg3[%get3A_386, %get3A_387] : memref<128x2048xf32, #tpu.memory_space<vmem>>, vector<1x2048xf32>
    %max3A_389 = vector.broadcast %slice3A_385 : vector<128x1xf32> to vector<128x2048xf32>
    %max3A_390 = vector.broadcast %get3A_388 : vector<1x2048xf32> to vector<128x2048xf32>
    %max3A_391 = arith.maximumf %max3A_389, %max3A_390 : vector<128x2048xf32>
    %add3A_392 = arith.addf %add3A_384, %max3A_391 : vector<128x2048xf32>
    %slice3A_393 = vector.extract_strided_slice %get3A_1 {offsets = [0, 48], sizes = [128, 1], strides = [1, 1]} : vector<128x128xf32> to vector<128x1xf32>
    %get3A_394 = arith.constant 48 : index
    %get3A_395 = arith.constant 0 : index
    %get3A_396 = vector.load %arg3[%get3A_394, %get3A_395] : memref<128x2048xf32, #tpu.memory_space<vmem>>, vector<1x2048xf32>
    %max3A_397 = vector.broadcast %slice3A_393 : vector<128x1xf32> to vector<128x2048xf32>
    %max3A_398 = vector.broadcast %get3A_396 : vector<1x2048xf32> to vector<128x2048xf32>
    %max3A_399 = arith.maximumf %max3A_397, %max3A_398 : vector<128x2048xf32>
    %add3A_400 = arith.addf %add3A_392, %max3A_399 : vector<128x2048xf32>
    %slice3A_401 = vector.extract_strided_slice %get3A_1 {offsets = [0, 49], sizes = [128, 1], strides = [1, 1]} : vector<128x128xf32> to vector<128x1xf32>
    %get3A_402 = arith.constant 49 : index
    %get3A_403 = arith.constant 0 : index
    %get3A_404 = vector.load %arg3[%get3A_402, %get3A_403] : memref<128x2048xf32, #tpu.memory_space<vmem>>, vector<1x2048xf32>
    %max3A_405 = vector.broadcast %slice3A_401 : vector<128x1xf32> to vector<128x2048xf32>
    %max3A_406 = vector.broadcast %get3A_404 : vector<1x2048xf32> to vector<128x2048xf32>
    %max3A_407 = arith.maximumf %max3A_405, %max3A_406 : vector<128x2048xf32>
    %add3A_408 = arith.addf %add3A_400, %max3A_407 : vector<128x2048xf32>
    %slice3A_409 = vector.extract_strided_slice %get3A_1 {offsets = [0, 50], sizes = [128, 1], strides = [1, 1]} : vector<128x128xf32> to vector<128x1xf32>
    %get3A_410 = arith.constant 50 : index
    %get3A_411 = arith.constant 0 : index
    %get3A_412 = vector.load %arg3[%get3A_410, %get3A_411] : memref<128x2048xf32, #tpu.memory_space<vmem>>, vector<1x2048xf32>
    %max3A_413 = vector.broadcast %slice3A_409 : vector<128x1xf32> to vector<128x2048xf32>
    %max3A_414 = vector.broadcast %get3A_412 : vector<1x2048xf32> to vector<128x2048xf32>
    %max3A_415 = arith.maximumf %max3A_413, %max3A_414 : vector<128x2048xf32>
    %add3A_416 = arith.addf %add3A_408, %max3A_415 : vector<128x2048xf32>
    %slice3A_417 = vector.extract_strided_slice %get3A_1 {offsets = [0, 51], sizes = [128, 1], strides = [1, 1]} : vector<128x128xf32> to vector<128x1xf32>
    %get3A_418 = arith.constant 51 : index
    %get3A_419 = arith.constant 0 : index
    %get3A_420 = vector.load %arg3[%get3A_418, %get3A_419] : memref<128x2048xf32, #tpu.memory_space<vmem>>, vector<1x2048xf32>
    %max3A_421 = vector.broadcast %slice3A_417 : vector<128x1xf32> to vector<128x2048xf32>
    %max3A_422 = vector.broadcast %get3A_420 : vector<1x2048xf32> to vector<128x2048xf32>
    %max3A_423 = arith.maximumf %max3A_421, %max3A_422 : vector<128x2048xf32>
    %add3A_424 = arith.addf %add3A_416, %max3A_423 : vector<128x2048xf32>
    %slice3A_425 = vector.extract_strided_slice %get3A_1 {offsets = [0, 52], sizes = [128, 1], strides = [1, 1]} : vector<128x128xf32> to vector<128x1xf32>
    %get3A_426 = arith.constant 52 : index
    %get3A_427 = arith.constant 0 : index
    %get3A_428 = vector.load %arg3[%get3A_426, %get3A_427] : memref<128x2048xf32, #tpu.memory_space<vmem>>, vector<1x2048xf32>
    %max3A_429 = vector.broadcast %slice3A_425 : vector<128x1xf32> to vector<128x2048xf32>
    %max3A_430 = vector.broadcast %get3A_428 : vector<1x2048xf32> to vector<128x2048xf32>
    %max3A_431 = arith.maximumf %max3A_429, %max3A_430 : vector<128x2048xf32>
    %add3A_432 = arith.addf %add3A_424, %max3A_431 : vector<128x2048xf32>
    %slice3A_433 = vector.extract_strided_slice %get3A_1 {offsets = [0, 53], sizes = [128, 1], strides = [1, 1]} : vector<128x128xf32> to vector<128x1xf32>
    %get3A_434 = arith.constant 53 : index
    %get3A_435 = arith.constant 0 : index
    %get3A_436 = vector.load %arg3[%get3A_434, %get3A_435] : memref<128x2048xf32, #tpu.memory_space<vmem>>, vector<1x2048xf32>
    %max3A_437 = vector.broadcast %slice3A_433 : vector<128x1xf32> to vector<128x2048xf32>
    %max3A_438 = vector.broadcast %get3A_436 : vector<1x2048xf32> to vector<128x2048xf32>
    %max3A_439 = arith.maximumf %max3A_437, %max3A_438 : vector<128x2048xf32>
    %add3A_440 = arith.addf %add3A_432, %max3A_439 : vector<128x2048xf32>
    %slice3A_441 = vector.extract_strided_slice %get3A_1 {offsets = [0, 54], sizes = [128, 1], strides = [1, 1]} : vector<128x128xf32> to vector<128x1xf32>
    %get3A_442 = arith.constant 54 : index
    %get3A_443 = arith.constant 0 : index
    %get3A_444 = vector.load %arg3[%get3A_442, %get3A_443] : memref<128x2048xf32, #tpu.memory_space<vmem>>, vector<1x2048xf32>
    %max3A_445 = vector.broadcast %slice3A_441 : vector<128x1xf32> to vector<128x2048xf32>
    %max3A_446 = vector.broadcast %get3A_444 : vector<1x2048xf32> to vector<128x2048xf32>
    %max3A_447 = arith.maximumf %max3A_445, %max3A_446 : vector<128x2048xf32>
    %add3A_448 = arith.addf %add3A_440, %max3A_447 : vector<128x2048xf32>
    %slice3A_449 = vector.extract_strided_slice %get3A_1 {offsets = [0, 55], sizes = [128, 1], strides = [1, 1]} : vector<128x128xf32> to vector<128x1xf32>
    %get3A_450 = arith.constant 55 : index
    %get3A_451 = arith.constant 0 : index
    %get3A_452 = vector.load %arg3[%get3A_450, %get3A_451] : memref<128x2048xf32, #tpu.memory_space<vmem>>, vector<1x2048xf32>
    %max3A_453 = vector.broadcast %slice3A_449 : vector<128x1xf32> to vector<128x2048xf32>
    %max3A_454 = vector.broadcast %get3A_452 : vector<1x2048xf32> to vector<128x2048xf32>
    %max3A_455 = arith.maximumf %max3A_453, %max3A_454 : vector<128x2048xf32>
    %add3A_456 = arith.addf %add3A_448, %max3A_455 : vector<128x2048xf32>
    %slice3A_457 = vector.extract_strided_slice %get3A_1 {offsets = [0, 56], sizes = [128, 1], strides = [1, 1]} : vector<128x128xf32> to vector<128x1xf32>
    %get3A_458 = arith.constant 56 : index
    %get3A_459 = arith.constant 0 : index
    %get3A_460 = vector.load %arg3[%get3A_458, %get3A_459] : memref<128x2048xf32, #tpu.memory_space<vmem>>, vector<1x2048xf32>
    %max3A_461 = vector.broadcast %slice3A_457 : vector<128x1xf32> to vector<128x2048xf32>
    %max3A_462 = vector.broadcast %get3A_460 : vector<1x2048xf32> to vector<128x2048xf32>
    %max3A_463 = arith.maximumf %max3A_461, %max3A_462 : vector<128x2048xf32>
    %add3A_464 = arith.addf %add3A_456, %max3A_463 : vector<128x2048xf32>
    %slice3A_465 = vector.extract_strided_slice %get3A_1 {offsets = [0, 57], sizes = [128, 1], strides = [1, 1]} : vector<128x128xf32> to vector<128x1xf32>
    %get3A_466 = arith.constant 57 : index
    %get3A_467 = arith.constant 0 : index
    %get3A_468 = vector.load %arg3[%get3A_466, %get3A_467] : memref<128x2048xf32, #tpu.memory_space<vmem>>, vector<1x2048xf32>
    %max3A_469 = vector.broadcast %slice3A_465 : vector<128x1xf32> to vector<128x2048xf32>
    %max3A_470 = vector.broadcast %get3A_468 : vector<1x2048xf32> to vector<128x2048xf32>
    %max3A_471 = arith.maximumf %max3A_469, %max3A_470 : vector<128x2048xf32>
    %add3A_472 = arith.addf %add3A_464, %max3A_471 : vector<128x2048xf32>
    %slice3A_473 = vector.extract_strided_slice %get3A_1 {offsets = [0, 58], sizes = [128, 1], strides = [1, 1]} : vector<128x128xf32> to vector<128x1xf32>
    %get3A_474 = arith.constant 58 : index
    %get3A_475 = arith.constant 0 : index
    %get3A_476 = vector.load %arg3[%get3A_474, %get3A_475] : memref<128x2048xf32, #tpu.memory_space<vmem>>, vector<1x2048xf32>
    %max3A_477 = vector.broadcast %slice3A_473 : vector<128x1xf32> to vector<128x2048xf32>
    %max3A_478 = vector.broadcast %get3A_476 : vector<1x2048xf32> to vector<128x2048xf32>
    %max3A_479 = arith.maximumf %max3A_477, %max3A_478 : vector<128x2048xf32>
    %add3A_480 = arith.addf %add3A_472, %max3A_479 : vector<128x2048xf32>
    %slice3A_481 = vector.extract_strided_slice %get3A_1 {offsets = [0, 59], sizes = [128, 1], strides = [1, 1]} : vector<128x128xf32> to vector<128x1xf32>
    %get3A_482 = arith.constant 59 : index
    %get3A_483 = arith.constant 0 : index
    %get3A_484 = vector.load %arg3[%get3A_482, %get3A_483] : memref<128x2048xf32, #tpu.memory_space<vmem>>, vector<1x2048xf32>
    %max3A_485 = vector.broadcast %slice3A_481 : vector<128x1xf32> to vector<128x2048xf32>
    %max3A_486 = vector.broadcast %get3A_484 : vector<1x2048xf32> to vector<128x2048xf32>
    %max3A_487 = arith.maximumf %max3A_485, %max3A_486 : vector<128x2048xf32>
    %add3A_488 = arith.addf %add3A_480, %max3A_487 : vector<128x2048xf32>
    %slice3A_489 = vector.extract_strided_slice %get3A_1 {offsets = [0, 60], sizes = [128, 1], strides = [1, 1]} : vector<128x128xf32> to vector<128x1xf32>
    %get3A_490 = arith.constant 60 : index
    %get3A_491 = arith.constant 0 : index
    %get3A_492 = vector.load %arg3[%get3A_490, %get3A_491] : memref<128x2048xf32, #tpu.memory_space<vmem>>, vector<1x2048xf32>
    %max3A_493 = vector.broadcast %slice3A_489 : vector<128x1xf32> to vector<128x2048xf32>
    %max3A_494 = vector.broadcast %get3A_492 : vector<1x2048xf32> to vector<128x2048xf32>
    %max3A_495 = arith.maximumf %max3A_493, %max3A_494 : vector<128x2048xf32>
    %add3A_496 = arith.addf %add3A_488, %max3A_495 : vector<128x2048xf32>
    %slice3A_497 = vector.extract_strided_slice %get3A_1 {offsets = [0, 61], sizes = [128, 1], strides = [1, 1]} : vector<128x128xf32> to vector<128x1xf32>
    %get3A_498 = arith.constant 61 : index
    %get3A_499 = arith.constant 0 : index
    %get3A_500 = vector.load %arg3[%get3A_498, %get3A_499] : memref<128x2048xf32, #tpu.memory_space<vmem>>, vector<1x2048xf32>
    %max3A_501 = vector.broadcast %slice3A_497 : vector<128x1xf32> to vector<128x2048xf32>
    %max3A_502 = vector.broadcast %get3A_500 : vector<1x2048xf32> to vector<128x2048xf32>
    %max3A_503 = arith.maximumf %max3A_501, %max3A_502 : vector<128x2048xf32>
    %add3A_504 = arith.addf %add3A_496, %max3A_503 : vector<128x2048xf32>
    %slice3A_505 = vector.extract_strided_slice %get3A_1 {offsets = [0, 62], sizes = [128, 1], strides = [1, 1]} : vector<128x128xf32> to vector<128x1xf32>
    %get3A_506 = arith.constant 62 : index
    %get3A_507 = arith.constant 0 : index
    %get3A_508 = vector.load %arg3[%get3A_506, %get3A_507] : memref<128x2048xf32, #tpu.memory_space<vmem>>, vector<1x2048xf32>
    %max3A_509 = vector.broadcast %slice3A_505 : vector<128x1xf32> to vector<128x2048xf32>
    %max3A_510 = vector.broadcast %get3A_508 : vector<1x2048xf32> to vector<128x2048xf32>
    %max3A_511 = arith.maximumf %max3A_509, %max3A_510 : vector<128x2048xf32>
    %add3A_512 = arith.addf %add3A_504, %max3A_511 : vector<128x2048xf32>
    %slice3A_513 = vector.extract_strided_slice %get3A_1 {offsets = [0, 63], sizes = [128, 1], strides = [1, 1]} : vector<128x128xf32> to vector<128x1xf32>
    %get3A_514 = arith.constant 63 : index
    %get3A_515 = arith.constant 0 : index
    %get3A_516 = vector.load %arg3[%get3A_514, %get3A_515] : memref<128x2048xf32, #tpu.memory_space<vmem>>, vector<1x2048xf32>
    %max3A_517 = vector.broadcast %slice3A_513 : vector<128x1xf32> to vector<128x2048xf32>
    %max3A_518 = vector.broadcast %get3A_516 : vector<1x2048xf32> to vector<128x2048xf32>
    %max3A_519 = arith.maximumf %max3A_517, %max3A_518 : vector<128x2048xf32>
    %add3A_520 = arith.addf %add3A_512, %max3A_519 : vector<128x2048xf32>
    %add3A_521 = arith.addf %add3A_262, %add3A_520 : vector<128x2048xf32>
    %broadcast_in_dim3A_522 = arith.constant 0.000000e+00 : f32
    %broadcast_in_dim3A_523 = vector.broadcast %broadcast_in_dim3A_522 : f32 to vector<128x2048xf32>
    %slice3A_524 = vector.extract_strided_slice %get3A_1 {offsets = [0, 64], sizes = [128, 1], strides = [1, 1]} : vector<128x128xf32> to vector<128x1xf32>
    %get3A_525 = arith.constant 64 : index
    %get3A_526 = arith.constant 0 : index
    %get3A_527 = vector.load %arg3[%get3A_525, %get3A_526] : memref<128x2048xf32, #tpu.memory_space<vmem>>, vector<1x2048xf32>
    %max3A_528 = vector.broadcast %slice3A_524 : vector<128x1xf32> to vector<128x2048xf32>
    %max3A_529 = vector.broadcast %get3A_527 : vector<1x2048xf32> to vector<128x2048xf32>
    %max3A_530 = arith.maximumf %max3A_528, %max3A_529 : vector<128x2048xf32>
    %add3A_531 = arith.addf %broadcast_in_dim3A_523, %max3A_530 : vector<128x2048xf32>
    %slice3A_532 = vector.extract_strided_slice %get3A_1 {offsets = [0, 65], sizes = [128, 1], strides = [1, 1]} : vector<128x128xf32> to vector<128x1xf32>
    %get3A_533 = arith.constant 65 : index
    %get3A_534 = arith.constant 0 : index
    %get3A_535 = vector.load %arg3[%get3A_533, %get3A_534] : memref<128x2048xf32, #tpu.memory_space<vmem>>, vector<1x2048xf32>
    %max3A_536 = vector.broadcast %slice3A_532 : vector<128x1xf32> to vector<128x2048xf32>
    %max3A_537 = vector.broadcast %get3A_535 : vector<1x2048xf32> to vector<128x2048xf32>
    %max3A_538 = arith.maximumf %max3A_536, %max3A_537 : vector<128x2048xf32>
    %add3A_539 = arith.addf %add3A_531, %max3A_538 : vector<128x2048xf32>
    %slice3A_540 = vector.extract_strided_slice %get3A_1 {offsets = [0, 66], sizes = [128, 1], strides = [1, 1]} : vector<128x128xf32> to vector<128x1xf32>
    %get3A_541 = arith.constant 66 : index
    %get3A_542 = arith.constant 0 : index
    %get3A_543 = vector.load %arg3[%get3A_541, %get3A_542] : memref<128x2048xf32, #tpu.memory_space<vmem>>, vector<1x2048xf32>
    %max3A_544 = vector.broadcast %slice3A_540 : vector<128x1xf32> to vector<128x2048xf32>
    %max3A_545 = vector.broadcast %get3A_543 : vector<1x2048xf32> to vector<128x2048xf32>
    %max3A_546 = arith.maximumf %max3A_544, %max3A_545 : vector<128x2048xf32>
    %add3A_547 = arith.addf %add3A_539, %max3A_546 : vector<128x2048xf32>
    %slice3A_548 = vector.extract_strided_slice %get3A_1 {offsets = [0, 67], sizes = [128, 1], strides = [1, 1]} : vector<128x128xf32> to vector<128x1xf32>
    %get3A_549 = arith.constant 67 : index
    %get3A_550 = arith.constant 0 : index
    %get3A_551 = vector.load %arg3[%get3A_549, %get3A_550] : memref<128x2048xf32, #tpu.memory_space<vmem>>, vector<1x2048xf32>
    %max3A_552 = vector.broadcast %slice3A_548 : vector<128x1xf32> to vector<128x2048xf32>
    %max3A_553 = vector.broadcast %get3A_551 : vector<1x2048xf32> to vector<128x2048xf32>
    %max3A_554 = arith.maximumf %max3A_552, %max3A_553 : vector<128x2048xf32>
    %add3A_555 = arith.addf %add3A_547, %max3A_554 : vector<128x2048xf32>
    %slice3A_556 = vector.extract_strided_slice %get3A_1 {offsets = [0, 68], sizes = [128, 1], strides = [1, 1]} : vector<128x128xf32> to vector<128x1xf32>
    %get3A_557 = arith.constant 68 : index
    %get3A_558 = arith.constant 0 : index
    %get3A_559 = vector.load %arg3[%get3A_557, %get3A_558] : memref<128x2048xf32, #tpu.memory_space<vmem>>, vector<1x2048xf32>
    %max3A_560 = vector.broadcast %slice3A_556 : vector<128x1xf32> to vector<128x2048xf32>
    %max3A_561 = vector.broadcast %get3A_559 : vector<1x2048xf32> to vector<128x2048xf32>
    %max3A_562 = arith.maximumf %max3A_560, %max3A_561 : vector<128x2048xf32>
    %add3A_563 = arith.addf %add3A_555, %max3A_562 : vector<128x2048xf32>
    %slice3A_564 = vector.extract_strided_slice %get3A_1 {offsets = [0, 69], sizes = [128, 1], strides = [1, 1]} : vector<128x128xf32> to vector<128x1xf32>
    %get3A_565 = arith.constant 69 : index
    %get3A_566 = arith.constant 0 : index
    %get3A_567 = vector.load %arg3[%get3A_565, %get3A_566] : memref<128x2048xf32, #tpu.memory_space<vmem>>, vector<1x2048xf32>
    %max3A_568 = vector.broadcast %slice3A_564 : vector<128x1xf32> to vector<128x2048xf32>
    %max3A_569 = vector.broadcast %get3A_567 : vector<1x2048xf32> to vector<128x2048xf32>
    %max3A_570 = arith.maximumf %max3A_568, %max3A_569 : vector<128x2048xf32>
    %add3A_571 = arith.addf %add3A_563, %max3A_570 : vector<128x2048xf32>
    %slice3A_572 = vector.extract_strided_slice %get3A_1 {offsets = [0, 70], sizes = [128, 1], strides = [1, 1]} : vector<128x128xf32> to vector<128x1xf32>
    %get3A_573 = arith.constant 70 : index
    %get3A_574 = arith.constant 0 : index
    %get3A_575 = vector.load %arg3[%get3A_573, %get3A_574] : memref<128x2048xf32, #tpu.memory_space<vmem>>, vector<1x2048xf32>
    %max3A_576 = vector.broadcast %slice3A_572 : vector<128x1xf32> to vector<128x2048xf32>
    %max3A_577 = vector.broadcast %get3A_575 : vector<1x2048xf32> to vector<128x2048xf32>
    %max3A_578 = arith.maximumf %max3A_576, %max3A_577 : vector<128x2048xf32>
    %add3A_579 = arith.addf %add3A_571, %max3A_578 : vector<128x2048xf32>
    %slice3A_580 = vector.extract_strided_slice %get3A_1 {offsets = [0, 71], sizes = [128, 1], strides = [1, 1]} : vector<128x128xf32> to vector<128x1xf32>
    %get3A_581 = arith.constant 71 : index
    %get3A_582 = arith.constant 0 : index
    %get3A_583 = vector.load %arg3[%get3A_581, %get3A_582] : memref<128x2048xf32, #tpu.memory_space<vmem>>, vector<1x2048xf32>
    %max3A_584 = vector.broadcast %slice3A_580 : vector<128x1xf32> to vector<128x2048xf32>
    %max3A_585 = vector.broadcast %get3A_583 : vector<1x2048xf32> to vector<128x2048xf32>
    %max3A_586 = arith.maximumf %max3A_584, %max3A_585 : vector<128x2048xf32>
    %add3A_587 = arith.addf %add3A_579, %max3A_586 : vector<128x2048xf32>
    %slice3A_588 = vector.extract_strided_slice %get3A_1 {offsets = [0, 72], sizes = [128, 1], strides = [1, 1]} : vector<128x128xf32> to vector<128x1xf32>
    %get3A_589 = arith.constant 72 : index
    %get3A_590 = arith.constant 0 : index
    %get3A_591 = vector.load %arg3[%get3A_589, %get3A_590] : memref<128x2048xf32, #tpu.memory_space<vmem>>, vector<1x2048xf32>
    %max3A_592 = vector.broadcast %slice3A_588 : vector<128x1xf32> to vector<128x2048xf32>
    %max3A_593 = vector.broadcast %get3A_591 : vector<1x2048xf32> to vector<128x2048xf32>
    %max3A_594 = arith.maximumf %max3A_592, %max3A_593 : vector<128x2048xf32>
    %add3A_595 = arith.addf %add3A_587, %max3A_594 : vector<128x2048xf32>
    %slice3A_596 = vector.extract_strided_slice %get3A_1 {offsets = [0, 73], sizes = [128, 1], strides = [1, 1]} : vector<128x128xf32> to vector<128x1xf32>
    %get3A_597 = arith.constant 73 : index
    %get3A_598 = arith.constant 0 : index
    %get3A_599 = vector.load %arg3[%get3A_597, %get3A_598] : memref<128x2048xf32, #tpu.memory_space<vmem>>, vector<1x2048xf32>
    %max3A_600 = vector.broadcast %slice3A_596 : vector<128x1xf32> to vector<128x2048xf32>
    %max3A_601 = vector.broadcast %get3A_599 : vector<1x2048xf32> to vector<128x2048xf32>
    %max3A_602 = arith.maximumf %max3A_600, %max3A_601 : vector<128x2048xf32>
    %add3A_603 = arith.addf %add3A_595, %max3A_602 : vector<128x2048xf32>
    %slice3A_604 = vector.extract_strided_slice %get3A_1 {offsets = [0, 74], sizes = [128, 1], strides = [1, 1]} : vector<128x128xf32> to vector<128x1xf32>
    %get3A_605 = arith.constant 74 : index
    %get3A_606 = arith.constant 0 : index
    %get3A_607 = vector.load %arg3[%get3A_605, %get3A_606] : memref<128x2048xf32, #tpu.memory_space<vmem>>, vector<1x2048xf32>
    %max3A_608 = vector.broadcast %slice3A_604 : vector<128x1xf32> to vector<128x2048xf32>
    %max3A_609 = vector.broadcast %get3A_607 : vector<1x2048xf32> to vector<128x2048xf32>
    %max3A_610 = arith.maximumf %max3A_608, %max3A_609 : vector<128x2048xf32>
    %add3A_611 = arith.addf %add3A_603, %max3A_610 : vector<128x2048xf32>
    %slice3A_612 = vector.extract_strided_slice %get3A_1 {offsets = [0, 75], sizes = [128, 1], strides = [1, 1]} : vector<128x128xf32> to vector<128x1xf32>
    %get3A_613 = arith.constant 75 : index
    %get3A_614 = arith.constant 0 : index
    %get3A_615 = vector.load %arg3[%get3A_613, %get3A_614] : memref<128x2048xf32, #tpu.memory_space<vmem>>, vector<1x2048xf32>
    %max3A_616 = vector.broadcast %slice3A_612 : vector<128x1xf32> to vector<128x2048xf32>
    %max3A_617 = vector.broadcast %get3A_615 : vector<1x2048xf32> to vector<128x2048xf32>
    %max3A_618 = arith.maximumf %max3A_616, %max3A_617 : vector<128x2048xf32>
    %add3A_619 = arith.addf %add3A_611, %max3A_618 : vector<128x2048xf32>
    %slice3A_620 = vector.extract_strided_slice %get3A_1 {offsets = [0, 76], sizes = [128, 1], strides = [1, 1]} : vector<128x128xf32> to vector<128x1xf32>
    %get3A_621 = arith.constant 76 : index
    %get3A_622 = arith.constant 0 : index
    %get3A_623 = vector.load %arg3[%get3A_621, %get3A_622] : memref<128x2048xf32, #tpu.memory_space<vmem>>, vector<1x2048xf32>
    %max3A_624 = vector.broadcast %slice3A_620 : vector<128x1xf32> to vector<128x2048xf32>
    %max3A_625 = vector.broadcast %get3A_623 : vector<1x2048xf32> to vector<128x2048xf32>
    %max3A_626 = arith.maximumf %max3A_624, %max3A_625 : vector<128x2048xf32>
    %add3A_627 = arith.addf %add3A_619, %max3A_626 : vector<128x2048xf32>
    %slice3A_628 = vector.extract_strided_slice %get3A_1 {offsets = [0, 77], sizes = [128, 1], strides = [1, 1]} : vector<128x128xf32> to vector<128x1xf32>
    %get3A_629 = arith.constant 77 : index
    %get3A_630 = arith.constant 0 : index
    %get3A_631 = vector.load %arg3[%get3A_629, %get3A_630] : memref<128x2048xf32, #tpu.memory_space<vmem>>, vector<1x2048xf32>
    %max3A_632 = vector.broadcast %slice3A_628 : vector<128x1xf32> to vector<128x2048xf32>
    %max3A_633 = vector.broadcast %get3A_631 : vector<1x2048xf32> to vector<128x2048xf32>
    %max3A_634 = arith.maximumf %max3A_632, %max3A_633 : vector<128x2048xf32>
    %add3A_635 = arith.addf %add3A_627, %max3A_634 : vector<128x2048xf32>
    %slice3A_636 = vector.extract_strided_slice %get3A_1 {offsets = [0, 78], sizes = [128, 1], strides = [1, 1]} : vector<128x128xf32> to vector<128x1xf32>
    %get3A_637 = arith.constant 78 : index
    %get3A_638 = arith.constant 0 : index
    %get3A_639 = vector.load %arg3[%get3A_637, %get3A_638] : memref<128x2048xf32, #tpu.memory_space<vmem>>, vector<1x2048xf32>
    %max3A_640 = vector.broadcast %slice3A_636 : vector<128x1xf32> to vector<128x2048xf32>
    %max3A_641 = vector.broadcast %get3A_639 : vector<1x2048xf32> to vector<128x2048xf32>
    %max3A_642 = arith.maximumf %max3A_640, %max3A_641 : vector<128x2048xf32>
    %add3A_643 = arith.addf %add3A_635, %max3A_642 : vector<128x2048xf32>
    %slice3A_644 = vector.extract_strided_slice %get3A_1 {offsets = [0, 79], sizes = [128, 1], strides = [1, 1]} : vector<128x128xf32> to vector<128x1xf32>
    %get3A_645 = arith.constant 79 : index
    %get3A_646 = arith.constant 0 : index
    %get3A_647 = vector.load %arg3[%get3A_645, %get3A_646] : memref<128x2048xf32, #tpu.memory_space<vmem>>, vector<1x2048xf32>
    %max3A_648 = vector.broadcast %slice3A_644 : vector<128x1xf32> to vector<128x2048xf32>
    %max3A_649 = vector.broadcast %get3A_647 : vector<1x2048xf32> to vector<128x2048xf32>
    %max3A_650 = arith.maximumf %max3A_648, %max3A_649 : vector<128x2048xf32>
    %add3A_651 = arith.addf %add3A_643, %max3A_650 : vector<128x2048xf32>
    %slice3A_652 = vector.extract_strided_slice %get3A_1 {offsets = [0, 80], sizes = [128, 1], strides = [1, 1]} : vector<128x128xf32> to vector<128x1xf32>
    %get3A_653 = arith.constant 80 : index
    %get3A_654 = arith.constant 0 : index
    %get3A_655 = vector.load %arg3[%get3A_653, %get3A_654] : memref<128x2048xf32, #tpu.memory_space<vmem>>, vector<1x2048xf32>
    %max3A_656 = vector.broadcast %slice3A_652 : vector<128x1xf32> to vector<128x2048xf32>
    %max3A_657 = vector.broadcast %get3A_655 : vector<1x2048xf32> to vector<128x2048xf32>
    %max3A_658 = arith.maximumf %max3A_656, %max3A_657 : vector<128x2048xf32>
    %add3A_659 = arith.addf %add3A_651, %max3A_658 : vector<128x2048xf32>
    %slice3A_660 = vector.extract_strided_slice %get3A_1 {offsets = [0, 81], sizes = [128, 1], strides = [1, 1]} : vector<128x128xf32> to vector<128x1xf32>
    %get3A_661 = arith.constant 81 : index
    %get3A_662 = arith.constant 0 : index
    %get3A_663 = vector.load %arg3[%get3A_661, %get3A_662] : memref<128x2048xf32, #tpu.memory_space<vmem>>, vector<1x2048xf32>
    %max3A_664 = vector.broadcast %slice3A_660 : vector<128x1xf32> to vector<128x2048xf32>
    %max3A_665 = vector.broadcast %get3A_663 : vector<1x2048xf32> to vector<128x2048xf32>
    %max3A_666 = arith.maximumf %max3A_664, %max3A_665 : vector<128x2048xf32>
    %add3A_667 = arith.addf %add3A_659, %max3A_666 : vector<128x2048xf32>
    %slice3A_668 = vector.extract_strided_slice %get3A_1 {offsets = [0, 82], sizes = [128, 1], strides = [1, 1]} : vector<128x128xf32> to vector<128x1xf32>
    %get3A_669 = arith.constant 82 : index
    %get3A_670 = arith.constant 0 : index
    %get3A_671 = vector.load %arg3[%get3A_669, %get3A_670] : memref<128x2048xf32, #tpu.memory_space<vmem>>, vector<1x2048xf32>
    %max3A_672 = vector.broadcast %slice3A_668 : vector<128x1xf32> to vector<128x2048xf32>
    %max3A_673 = vector.broadcast %get3A_671 : vector<1x2048xf32> to vector<128x2048xf32>
    %max3A_674 = arith.maximumf %max3A_672, %max3A_673 : vector<128x2048xf32>
    %add3A_675 = arith.addf %add3A_667, %max3A_674 : vector<128x2048xf32>
    %slice3A_676 = vector.extract_strided_slice %get3A_1 {offsets = [0, 83], sizes = [128, 1], strides = [1, 1]} : vector<128x128xf32> to vector<128x1xf32>
    %get3A_677 = arith.constant 83 : index
    %get3A_678 = arith.constant 0 : index
    %get3A_679 = vector.load %arg3[%get3A_677, %get3A_678] : memref<128x2048xf32, #tpu.memory_space<vmem>>, vector<1x2048xf32>
    %max3A_680 = vector.broadcast %slice3A_676 : vector<128x1xf32> to vector<128x2048xf32>
    %max3A_681 = vector.broadcast %get3A_679 : vector<1x2048xf32> to vector<128x2048xf32>
    %max3A_682 = arith.maximumf %max3A_680, %max3A_681 : vector<128x2048xf32>
    %add3A_683 = arith.addf %add3A_675, %max3A_682 : vector<128x2048xf32>
    %slice3A_684 = vector.extract_strided_slice %get3A_1 {offsets = [0, 84], sizes = [128, 1], strides = [1, 1]} : vector<128x128xf32> to vector<128x1xf32>
    %get3A_685 = arith.constant 84 : index
    %get3A_686 = arith.constant 0 : index
    %get3A_687 = vector.load %arg3[%get3A_685, %get3A_686] : memref<128x2048xf32, #tpu.memory_space<vmem>>, vector<1x2048xf32>
    %max3A_688 = vector.broadcast %slice3A_684 : vector<128x1xf32> to vector<128x2048xf32>
    %max3A_689 = vector.broadcast %get3A_687 : vector<1x2048xf32> to vector<128x2048xf32>
    %max3A_690 = arith.maximumf %max3A_688, %max3A_689 : vector<128x2048xf32>
    %add3A_691 = arith.addf %add3A_683, %max3A_690 : vector<128x2048xf32>
    %slice3A_692 = vector.extract_strided_slice %get3A_1 {offsets = [0, 85], sizes = [128, 1], strides = [1, 1]} : vector<128x128xf32> to vector<128x1xf32>
    %get3A_693 = arith.constant 85 : index
    %get3A_694 = arith.constant 0 : index
    %get3A_695 = vector.load %arg3[%get3A_693, %get3A_694] : memref<128x2048xf32, #tpu.memory_space<vmem>>, vector<1x2048xf32>
    %max3A_696 = vector.broadcast %slice3A_692 : vector<128x1xf32> to vector<128x2048xf32>
    %max3A_697 = vector.broadcast %get3A_695 : vector<1x2048xf32> to vector<128x2048xf32>
    %max3A_698 = arith.maximumf %max3A_696, %max3A_697 : vector<128x2048xf32>
    %add3A_699 = arith.addf %add3A_691, %max3A_698 : vector<128x2048xf32>
    %slice3A_700 = vector.extract_strided_slice %get3A_1 {offsets = [0, 86], sizes = [128, 1], strides = [1, 1]} : vector<128x128xf32> to vector<128x1xf32>
    %get3A_701 = arith.constant 86 : index
    %get3A_702 = arith.constant 0 : index
    %get3A_703 = vector.load %arg3[%get3A_701, %get3A_702] : memref<128x2048xf32, #tpu.memory_space<vmem>>, vector<1x2048xf32>
    %max3A_704 = vector.broadcast %slice3A_700 : vector<128x1xf32> to vector<128x2048xf32>
    %max3A_705 = vector.broadcast %get3A_703 : vector<1x2048xf32> to vector<128x2048xf32>
    %max3A_706 = arith.maximumf %max3A_704, %max3A_705 : vector<128x2048xf32>
    %add3A_707 = arith.addf %add3A_699, %max3A_706 : vector<128x2048xf32>
    %slice3A_708 = vector.extract_strided_slice %get3A_1 {offsets = [0, 87], sizes = [128, 1], strides = [1, 1]} : vector<128x128xf32> to vector<128x1xf32>
    %get3A_709 = arith.constant 87 : index
    %get3A_710 = arith.constant 0 : index
    %get3A_711 = vector.load %arg3[%get3A_709, %get3A_710] : memref<128x2048xf32, #tpu.memory_space<vmem>>, vector<1x2048xf32>
    %max3A_712 = vector.broadcast %slice3A_708 : vector<128x1xf32> to vector<128x2048xf32>
    %max3A_713 = vector.broadcast %get3A_711 : vector<1x2048xf32> to vector<128x2048xf32>
    %max3A_714 = arith.maximumf %max3A_712, %max3A_713 : vector<128x2048xf32>
    %add3A_715 = arith.addf %add3A_707, %max3A_714 : vector<128x2048xf32>
    %slice3A_716 = vector.extract_strided_slice %get3A_1 {offsets = [0, 88], sizes = [128, 1], strides = [1, 1]} : vector<128x128xf32> to vector<128x1xf32>
    %get3A_717 = arith.constant 88 : index
    %get3A_718 = arith.constant 0 : index
    %get3A_719 = vector.load %arg3[%get3A_717, %get3A_718] : memref<128x2048xf32, #tpu.memory_space<vmem>>, vector<1x2048xf32>
    %max3A_720 = vector.broadcast %slice3A_716 : vector<128x1xf32> to vector<128x2048xf32>
    %max3A_721 = vector.broadcast %get3A_719 : vector<1x2048xf32> to vector<128x2048xf32>
    %max3A_722 = arith.maximumf %max3A_720, %max3A_721 : vector<128x2048xf32>
    %add3A_723 = arith.addf %add3A_715, %max3A_722 : vector<128x2048xf32>
    %slice3A_724 = vector.extract_strided_slice %get3A_1 {offsets = [0, 89], sizes = [128, 1], strides = [1, 1]} : vector<128x128xf32> to vector<128x1xf32>
    %get3A_725 = arith.constant 89 : index
    %get3A_726 = arith.constant 0 : index
    %get3A_727 = vector.load %arg3[%get3A_725, %get3A_726] : memref<128x2048xf32, #tpu.memory_space<vmem>>, vector<1x2048xf32>
    %max3A_728 = vector.broadcast %slice3A_724 : vector<128x1xf32> to vector<128x2048xf32>
    %max3A_729 = vector.broadcast %get3A_727 : vector<1x2048xf32> to vector<128x2048xf32>
    %max3A_730 = arith.maximumf %max3A_728, %max3A_729 : vector<128x2048xf32>
    %add3A_731 = arith.addf %add3A_723, %max3A_730 : vector<128x2048xf32>
    %slice3A_732 = vector.extract_strided_slice %get3A_1 {offsets = [0, 90], sizes = [128, 1], strides = [1, 1]} : vector<128x128xf32> to vector<128x1xf32>
    %get3A_733 = arith.constant 90 : index
    %get3A_734 = arith.constant 0 : index
    %get3A_735 = vector.load %arg3[%get3A_733, %get3A_734] : memref<128x2048xf32, #tpu.memory_space<vmem>>, vector<1x2048xf32>
    %max3A_736 = vector.broadcast %slice3A_732 : vector<128x1xf32> to vector<128x2048xf32>
    %max3A_737 = vector.broadcast %get3A_735 : vector<1x2048xf32> to vector<128x2048xf32>
    %max3A_738 = arith.maximumf %max3A_736, %max3A_737 : vector<128x2048xf32>
    %add3A_739 = arith.addf %add3A_731, %max3A_738 : vector<128x2048xf32>
    %slice3A_740 = vector.extract_strided_slice %get3A_1 {offsets = [0, 91], sizes = [128, 1], strides = [1, 1]} : vector<128x128xf32> to vector<128x1xf32>
    %get3A_741 = arith.constant 91 : index
    %get3A_742 = arith.constant 0 : index
    %get3A_743 = vector.load %arg3[%get3A_741, %get3A_742] : memref<128x2048xf32, #tpu.memory_space<vmem>>, vector<1x2048xf32>
    %max3A_744 = vector.broadcast %slice3A_740 : vector<128x1xf32> to vector<128x2048xf32>
    %max3A_745 = vector.broadcast %get3A_743 : vector<1x2048xf32> to vector<128x2048xf32>
    %max3A_746 = arith.maximumf %max3A_744, %max3A_745 : vector<128x2048xf32>
    %add3A_747 = arith.addf %add3A_739, %max3A_746 : vector<128x2048xf32>
    %slice3A_748 = vector.extract_strided_slice %get3A_1 {offsets = [0, 92], sizes = [128, 1], strides = [1, 1]} : vector<128x128xf32> to vector<128x1xf32>
    %get3A_749 = arith.constant 92 : index
    %get3A_750 = arith.constant 0 : index
    %get3A_751 = vector.load %arg3[%get3A_749, %get3A_750] : memref<128x2048xf32, #tpu.memory_space<vmem>>, vector<1x2048xf32>
    %max3A_752 = vector.broadcast %slice3A_748 : vector<128x1xf32> to vector<128x2048xf32>
    %max3A_753 = vector.broadcast %get3A_751 : vector<1x2048xf32> to vector<128x2048xf32>
    %max3A_754 = arith.maximumf %max3A_752, %max3A_753 : vector<128x2048xf32>
    %add3A_755 = arith.addf %add3A_747, %max3A_754 : vector<128x2048xf32>
    %slice3A_756 = vector.extract_strided_slice %get3A_1 {offsets = [0, 93], sizes = [128, 1], strides = [1, 1]} : vector<128x128xf32> to vector<128x1xf32>
    %get3A_757 = arith.constant 93 : index
    %get3A_758 = arith.constant 0 : index
    %get3A_759 = vector.load %arg3[%get3A_757, %get3A_758] : memref<128x2048xf32, #tpu.memory_space<vmem>>, vector<1x2048xf32>
    %max3A_760 = vector.broadcast %slice3A_756 : vector<128x1xf32> to vector<128x2048xf32>
    %max3A_761 = vector.broadcast %get3A_759 : vector<1x2048xf32> to vector<128x2048xf32>
    %max3A_762 = arith.maximumf %max3A_760, %max3A_761 : vector<128x2048xf32>
    %add3A_763 = arith.addf %add3A_755, %max3A_762 : vector<128x2048xf32>
    %slice3A_764 = vector.extract_strided_slice %get3A_1 {offsets = [0, 94], sizes = [128, 1], strides = [1, 1]} : vector<128x128xf32> to vector<128x1xf32>
    %get3A_765 = arith.constant 94 : index
    %get3A_766 = arith.constant 0 : index
    %get3A_767 = vector.load %arg3[%get3A_765, %get3A_766] : memref<128x2048xf32, #tpu.memory_space<vmem>>, vector<1x2048xf32>
    %max3A_768 = vector.broadcast %slice3A_764 : vector<128x1xf32> to vector<128x2048xf32>
    %max3A_769 = vector.broadcast %get3A_767 : vector<1x2048xf32> to vector<128x2048xf32>
    %max3A_770 = arith.maximumf %max3A_768, %max3A_769 : vector<128x2048xf32>
    %add3A_771 = arith.addf %add3A_763, %max3A_770 : vector<128x2048xf32>
    %slice3A_772 = vector.extract_strided_slice %get3A_1 {offsets = [0, 95], sizes = [128, 1], strides = [1, 1]} : vector<128x128xf32> to vector<128x1xf32>
    %get3A_773 = arith.constant 95 : index
    %get3A_774 = arith.constant 0 : index
    %get3A_775 = vector.load %arg3[%get3A_773, %get3A_774] : memref<128x2048xf32, #tpu.memory_space<vmem>>, vector<1x2048xf32>
    %max3A_776 = vector.broadcast %slice3A_772 : vector<128x1xf32> to vector<128x2048xf32>
    %max3A_777 = vector.broadcast %get3A_775 : vector<1x2048xf32> to vector<128x2048xf32>
    %max3A_778 = arith.maximumf %max3A_776, %max3A_777 : vector<128x2048xf32>
    %add3A_779 = arith.addf %add3A_771, %max3A_778 : vector<128x2048xf32>
    %add3A_780 = arith.addf %add3A_521, %add3A_779 : vector<128x2048xf32>
    %broadcast_in_dim3A_781 = arith.constant 0.000000e+00 : f32
    %broadcast_in_dim3A_782 = vector.broadcast %broadcast_in_dim3A_781 : f32 to vector<128x2048xf32>
    %slice3A_783 = vector.extract_strided_slice %get3A_1 {offsets = [0, 96], sizes = [128, 1], strides = [1, 1]} : vector<128x128xf32> to vector<128x1xf32>
    %get3A_784 = arith.constant 96 : index
    %get3A_785 = arith.constant 0 : index
    %get3A_786 = vector.load %arg3[%get3A_784, %get3A_785] : memref<128x2048xf32, #tpu.memory_space<vmem>>, vector<1x2048xf32>
    %max3A_787 = vector.broadcast %slice3A_783 : vector<128x1xf32> to vector<128x2048xf32>
    %max3A_788 = vector.broadcast %get3A_786 : vector<1x2048xf32> to vector<128x2048xf32>
    %max3A_789 = arith.maximumf %max3A_787, %max3A_788 : vector<128x2048xf32>
    %add3A_790 = arith.addf %broadcast_in_dim3A_782, %max3A_789 : vector<128x2048xf32>
    %slice3A_791 = vector.extract_strided_slice %get3A_1 {offsets = [0, 97], sizes = [128, 1], strides = [1, 1]} : vector<128x128xf32> to vector<128x1xf32>
    %get3A_792 = arith.constant 97 : index
    %get3A_793 = arith.constant 0 : index
    %get3A_794 = vector.load %arg3[%get3A_792, %get3A_793] : memref<128x2048xf32, #tpu.memory_space<vmem>>, vector<1x2048xf32>
    %max3A_795 = vector.broadcast %slice3A_791 : vector<128x1xf32> to vector<128x2048xf32>
    %max3A_796 = vector.broadcast %get3A_794 : vector<1x2048xf32> to vector<128x2048xf32>
    %max3A_797 = arith.maximumf %max3A_795, %max3A_796 : vector<128x2048xf32>
    %add3A_798 = arith.addf %add3A_790, %max3A_797 : vector<128x2048xf32>
    %slice3A_799 = vector.extract_strided_slice %get3A_1 {offsets = [0, 98], sizes = [128, 1], strides = [1, 1]} : vector<128x128xf32> to vector<128x1xf32>
    %get3A_800 = arith.constant 98 : index
    %get3A_801 = arith.constant 0 : index
    %get3A_802 = vector.load %arg3[%get3A_800, %get3A_801] : memref<128x2048xf32, #tpu.memory_space<vmem>>, vector<1x2048xf32>
    %max3A_803 = vector.broadcast %slice3A_799 : vector<128x1xf32> to vector<128x2048xf32>
    %max3A_804 = vector.broadcast %get3A_802 : vector<1x2048xf32> to vector<128x2048xf32>
    %max3A_805 = arith.maximumf %max3A_803, %max3A_804 : vector<128x2048xf32>
    %add3A_806 = arith.addf %add3A_798, %max3A_805 : vector<128x2048xf32>
    %slice3A_807 = vector.extract_strided_slice %get3A_1 {offsets = [0, 99], sizes = [128, 1], strides = [1, 1]} : vector<128x128xf32> to vector<128x1xf32>
    %get3A_808 = arith.constant 99 : index
    %get3A_809 = arith.constant 0 : index
    %get3A_810 = vector.load %arg3[%get3A_808, %get3A_809] : memref<128x2048xf32, #tpu.memory_space<vmem>>, vector<1x2048xf32>
    %max3A_811 = vector.broadcast %slice3A_807 : vector<128x1xf32> to vector<128x2048xf32>
    %max3A_812 = vector.broadcast %get3A_810 : vector<1x2048xf32> to vector<128x2048xf32>
    %max3A_813 = arith.maximumf %max3A_811, %max3A_812 : vector<128x2048xf32>
    %add3A_814 = arith.addf %add3A_806, %max3A_813 : vector<128x2048xf32>
    %slice3A_815 = vector.extract_strided_slice %get3A_1 {offsets = [0, 100], sizes = [128, 1], strides = [1, 1]} : vector<128x128xf32> to vector<128x1xf32>
    %get3A_816 = arith.constant 100 : index
    %get3A_817 = arith.constant 0 : index
    %get3A_818 = vector.load %arg3[%get3A_816, %get3A_817] : memref<128x2048xf32, #tpu.memory_space<vmem>>, vector<1x2048xf32>
    %max3A_819 = vector.broadcast %slice3A_815 : vector<128x1xf32> to vector<128x2048xf32>
    %max3A_820 = vector.broadcast %get3A_818 : vector<1x2048xf32> to vector<128x2048xf32>
    %max3A_821 = arith.maximumf %max3A_819, %max3A_820 : vector<128x2048xf32>
    %add3A_822 = arith.addf %add3A_814, %max3A_821 : vector<128x2048xf32>
    %slice3A_823 = vector.extract_strided_slice %get3A_1 {offsets = [0, 101], sizes = [128, 1], strides = [1, 1]} : vector<128x128xf32> to vector<128x1xf32>
    %get3A_824 = arith.constant 101 : index
    %get3A_825 = arith.constant 0 : index
    %get3A_826 = vector.load %arg3[%get3A_824, %get3A_825] : memref<128x2048xf32, #tpu.memory_space<vmem>>, vector<1x2048xf32>
    %max3A_827 = vector.broadcast %slice3A_823 : vector<128x1xf32> to vector<128x2048xf32>
    %max3A_828 = vector.broadcast %get3A_826 : vector<1x2048xf32> to vector<128x2048xf32>
    %max3A_829 = arith.maximumf %max3A_827, %max3A_828 : vector<128x2048xf32>
    %add3A_830 = arith.addf %add3A_822, %max3A_829 : vector<128x2048xf32>
    %slice3A_831 = vector.extract_strided_slice %get3A_1 {offsets = [0, 102], sizes = [128, 1], strides = [1, 1]} : vector<128x128xf32> to vector<128x1xf32>
    %get3A_832 = arith.constant 102 : index
    %get3A_833 = arith.constant 0 : index
    %get3A_834 = vector.load %arg3[%get3A_832, %get3A_833] : memref<128x2048xf32, #tpu.memory_space<vmem>>, vector<1x2048xf32>
    %max3A_835 = vector.broadcast %slice3A_831 : vector<128x1xf32> to vector<128x2048xf32>
    %max3A_836 = vector.broadcast %get3A_834 : vector<1x2048xf32> to vector<128x2048xf32>
    %max3A_837 = arith.maximumf %max3A_835, %max3A_836 : vector<128x2048xf32>
    %add3A_838 = arith.addf %add3A_830, %max3A_837 : vector<128x2048xf32>
    %slice3A_839 = vector.extract_strided_slice %get3A_1 {offsets = [0, 103], sizes = [128, 1], strides = [1, 1]} : vector<128x128xf32> to vector<128x1xf32>
    %get3A_840 = arith.constant 103 : index
    %get3A_841 = arith.constant 0 : index
    %get3A_842 = vector.load %arg3[%get3A_840, %get3A_841] : memref<128x2048xf32, #tpu.memory_space<vmem>>, vector<1x2048xf32>
    %max3A_843 = vector.broadcast %slice3A_839 : vector<128x1xf32> to vector<128x2048xf32>
    %max3A_844 = vector.broadcast %get3A_842 : vector<1x2048xf32> to vector<128x2048xf32>
    %max3A_845 = arith.maximumf %max3A_843, %max3A_844 : vector<128x2048xf32>
    %add3A_846 = arith.addf %add3A_838, %max3A_845 : vector<128x2048xf32>
    %slice3A_847 = vector.extract_strided_slice %get3A_1 {offsets = [0, 104], sizes = [128, 1], strides = [1, 1]} : vector<128x128xf32> to vector<128x1xf32>
    %get3A_848 = arith.constant 104 : index
    %get3A_849 = arith.constant 0 : index
    %get3A_850 = vector.load %arg3[%get3A_848, %get3A_849] : memref<128x2048xf32, #tpu.memory_space<vmem>>, vector<1x2048xf32>
    %max3A_851 = vector.broadcast %slice3A_847 : vector<128x1xf32> to vector<128x2048xf32>
    %max3A_852 = vector.broadcast %get3A_850 : vector<1x2048xf32> to vector<128x2048xf32>
    %max3A_853 = arith.maximumf %max3A_851, %max3A_852 : vector<128x2048xf32>
    %add3A_854 = arith.addf %add3A_846, %max3A_853 : vector<128x2048xf32>
    %slice3A_855 = vector.extract_strided_slice %get3A_1 {offsets = [0, 105], sizes = [128, 1], strides = [1, 1]} : vector<128x128xf32> to vector<128x1xf32>
    %get3A_856 = arith.constant 105 : index
    %get3A_857 = arith.constant 0 : index
    %get3A_858 = vector.load %arg3[%get3A_856, %get3A_857] : memref<128x2048xf32, #tpu.memory_space<vmem>>, vector<1x2048xf32>
    %max3A_859 = vector.broadcast %slice3A_855 : vector<128x1xf32> to vector<128x2048xf32>
    %max3A_860 = vector.broadcast %get3A_858 : vector<1x2048xf32> to vector<128x2048xf32>
    %max3A_861 = arith.maximumf %max3A_859, %max3A_860 : vector<128x2048xf32>
    %add3A_862 = arith.addf %add3A_854, %max3A_861 : vector<128x2048xf32>
    %slice3A_863 = vector.extract_strided_slice %get3A_1 {offsets = [0, 106], sizes = [128, 1], strides = [1, 1]} : vector<128x128xf32> to vector<128x1xf32>
    %get3A_864 = arith.constant 106 : index
    %get3A_865 = arith.constant 0 : index
    %get3A_866 = vector.load %arg3[%get3A_864, %get3A_865] : memref<128x2048xf32, #tpu.memory_space<vmem>>, vector<1x2048xf32>
    %max3A_867 = vector.broadcast %slice3A_863 : vector<128x1xf32> to vector<128x2048xf32>
    %max3A_868 = vector.broadcast %get3A_866 : vector<1x2048xf32> to vector<128x2048xf32>
    %max3A_869 = arith.maximumf %max3A_867, %max3A_868 : vector<128x2048xf32>
    %add3A_870 = arith.addf %add3A_862, %max3A_869 : vector<128x2048xf32>
    %slice3A_871 = vector.extract_strided_slice %get3A_1 {offsets = [0, 107], sizes = [128, 1], strides = [1, 1]} : vector<128x128xf32> to vector<128x1xf32>
    %get3A_872 = arith.constant 107 : index
    %get3A_873 = arith.constant 0 : index
    %get3A_874 = vector.load %arg3[%get3A_872, %get3A_873] : memref<128x2048xf32, #tpu.memory_space<vmem>>, vector<1x2048xf32>
    %max3A_875 = vector.broadcast %slice3A_871 : vector<128x1xf32> to vector<128x2048xf32>
    %max3A_876 = vector.broadcast %get3A_874 : vector<1x2048xf32> to vector<128x2048xf32>
    %max3A_877 = arith.maximumf %max3A_875, %max3A_876 : vector<128x2048xf32>
    %add3A_878 = arith.addf %add3A_870, %max3A_877 : vector<128x2048xf32>
    %slice3A_879 = vector.extract_strided_slice %get3A_1 {offsets = [0, 108], sizes = [128, 1], strides = [1, 1]} : vector<128x128xf32> to vector<128x1xf32>
    %get3A_880 = arith.constant 108 : index
    %get3A_881 = arith.constant 0 : index
    %get3A_882 = vector.load %arg3[%get3A_880, %get3A_881] : memref<128x2048xf32, #tpu.memory_space<vmem>>, vector<1x2048xf32>
    %max3A_883 = vector.broadcast %slice3A_879 : vector<128x1xf32> to vector<128x2048xf32>
    %max3A_884 = vector.broadcast %get3A_882 : vector<1x2048xf32> to vector<128x2048xf32>
    %max3A_885 = arith.maximumf %max3A_883, %max3A_884 : vector<128x2048xf32>
    %add3A_886 = arith.addf %add3A_878, %max3A_885 : vector<128x2048xf32>
    %slice3A_887 = vector.extract_strided_slice %get3A_1 {offsets = [0, 109], sizes = [128, 1], strides = [1, 1]} : vector<128x128xf32> to vector<128x1xf32>
    %get3A_888 = arith.constant 109 : index
    %get3A_889 = arith.constant 0 : index
    %get3A_890 = vector.load %arg3[%get3A_888, %get3A_889] : memref<128x2048xf32, #tpu.memory_space<vmem>>, vector<1x2048xf32>
    %max3A_891 = vector.broadcast %slice3A_887 : vector<128x1xf32> to vector<128x2048xf32>
    %max3A_892 = vector.broadcast %get3A_890 : vector<1x2048xf32> to vector<128x2048xf32>
    %max3A_893 = arith.maximumf %max3A_891, %max3A_892 : vector<128x2048xf32>
    %add3A_894 = arith.addf %add3A_886, %max3A_893 : vector<128x2048xf32>
    %slice3A_895 = vector.extract_strided_slice %get3A_1 {offsets = [0, 110], sizes = [128, 1], strides = [1, 1]} : vector<128x128xf32> to vector<128x1xf32>
    %get3A_896 = arith.constant 110 : index
    %get3A_897 = arith.constant 0 : index
    %get3A_898 = vector.load %arg3[%get3A_896, %get3A_897] : memref<128x2048xf32, #tpu.memory_space<vmem>>, vector<1x2048xf32>
    %max3A_899 = vector.broadcast %slice3A_895 : vector<128x1xf32> to vector<128x2048xf32>
    %max3A_900 = vector.broadcast %get3A_898 : vector<1x2048xf32> to vector<128x2048xf32>
    %max3A_901 = arith.maximumf %max3A_899, %max3A_900 : vector<128x2048xf32>
    %add3A_902 = arith.addf %add3A_894, %max3A_901 : vector<128x2048xf32>
    %slice3A_903 = vector.extract_strided_slice %get3A_1 {offsets = [0, 111], sizes = [128, 1], strides = [1, 1]} : vector<128x128xf32> to vector<128x1xf32>
    %get3A_904 = arith.constant 111 : index
    %get3A_905 = arith.constant 0 : index
    %get3A_906 = vector.load %arg3[%get3A_904, %get3A_905] : memref<128x2048xf32, #tpu.memory_space<vmem>>, vector<1x2048xf32>
    %max3A_907 = vector.broadcast %slice3A_903 : vector<128x1xf32> to vector<128x2048xf32>
    %max3A_908 = vector.broadcast %get3A_906 : vector<1x2048xf32> to vector<128x2048xf32>
    %max3A_909 = arith.maximumf %max3A_907, %max3A_908 : vector<128x2048xf32>
    %add3A_910 = arith.addf %add3A_902, %max3A_909 : vector<128x2048xf32>
    %slice3A_911 = vector.extract_strided_slice %get3A_1 {offsets = [0, 112], sizes = [128, 1], strides = [1, 1]} : vector<128x128xf32> to vector<128x1xf32>
    %get3A_912 = arith.constant 112 : index
    %get3A_913 = arith.constant 0 : index
    %get3A_914 = vector.load %arg3[%get3A_912, %get3A_913] : memref<128x2048xf32, #tpu.memory_space<vmem>>, vector<1x2048xf32>
    %max3A_915 = vector.broadcast %slice3A_911 : vector<128x1xf32> to vector<128x2048xf32>
    %max3A_916 = vector.broadcast %get3A_914 : vector<1x2048xf32> to vector<128x2048xf32>
    %max3A_917 = arith.maximumf %max3A_915, %max3A_916 : vector<128x2048xf32>
    %add3A_918 = arith.addf %add3A_910, %max3A_917 : vector<128x2048xf32>
    %slice3A_919 = vector.extract_strided_slice %get3A_1 {offsets = [0, 113], sizes = [128, 1], strides = [1, 1]} : vector<128x128xf32> to vector<128x1xf32>
    %get3A_920 = arith.constant 113 : index
    %get3A_921 = arith.constant 0 : index
    %get3A_922 = vector.load %arg3[%get3A_920, %get3A_921] : memref<128x2048xf32, #tpu.memory_space<vmem>>, vector<1x2048xf32>
    %max3A_923 = vector.broadcast %slice3A_919 : vector<128x1xf32> to vector<128x2048xf32>
    %max3A_924 = vector.broadcast %get3A_922 : vector<1x2048xf32> to vector<128x2048xf32>
    %max3A_925 = arith.maximumf %max3A_923, %max3A_924 : vector<128x2048xf32>
    %add3A_926 = arith.addf %add3A_918, %max3A_925 : vector<128x2048xf32>
    %slice3A_927 = vector.extract_strided_slice %get3A_1 {offsets = [0, 114], sizes = [128, 1], strides = [1, 1]} : vector<128x128xf32> to vector<128x1xf32>
    %get3A_928 = arith.constant 114 : index
    %get3A_929 = arith.constant 0 : index
    %get3A_930 = vector.load %arg3[%get3A_928, %get3A_929] : memref<128x2048xf32, #tpu.memory_space<vmem>>, vector<1x2048xf32>
    %max3A_931 = vector.broadcast %slice3A_927 : vector<128x1xf32> to vector<128x2048xf32>
    %max3A_932 = vector.broadcast %get3A_930 : vector<1x2048xf32> to vector<128x2048xf32>
    %max3A_933 = arith.maximumf %max3A_931, %max3A_932 : vector<128x2048xf32>
    %add3A_934 = arith.addf %add3A_926, %max3A_933 : vector<128x2048xf32>
    %slice3A_935 = vector.extract_strided_slice %get3A_1 {offsets = [0, 115], sizes = [128, 1], strides = [1, 1]} : vector<128x128xf32> to vector<128x1xf32>
    %get3A_936 = arith.constant 115 : index
    %get3A_937 = arith.constant 0 : index
    %get3A_938 = vector.load %arg3[%get3A_936, %get3A_937] : memref<128x2048xf32, #tpu.memory_space<vmem>>, vector<1x2048xf32>
    %max3A_939 = vector.broadcast %slice3A_935 : vector<128x1xf32> to vector<128x2048xf32>
    %max3A_940 = vector.broadcast %get3A_938 : vector<1x2048xf32> to vector<128x2048xf32>
    %max3A_941 = arith.maximumf %max3A_939, %max3A_940 : vector<128x2048xf32>
    %add3A_942 = arith.addf %add3A_934, %max3A_941 : vector<128x2048xf32>
    %slice3A_943 = vector.extract_strided_slice %get3A_1 {offsets = [0, 116], sizes = [128, 1], strides = [1, 1]} : vector<128x128xf32> to vector<128x1xf32>
    %get3A_944 = arith.constant 116 : index
    %get3A_945 = arith.constant 0 : index
    %get3A_946 = vector.load %arg3[%get3A_944, %get3A_945] : memref<128x2048xf32, #tpu.memory_space<vmem>>, vector<1x2048xf32>
    %max3A_947 = vector.broadcast %slice3A_943 : vector<128x1xf32> to vector<128x2048xf32>
    %max3A_948 = vector.broadcast %get3A_946 : vector<1x2048xf32> to vector<128x2048xf32>
    %max3A_949 = arith.maximumf %max3A_947, %max3A_948 : vector<128x2048xf32>
    %add3A_950 = arith.addf %add3A_942, %max3A_949 : vector<128x2048xf32>
    %slice3A_951 = vector.extract_strided_slice %get3A_1 {offsets = [0, 117], sizes = [128, 1], strides = [1, 1]} : vector<128x128xf32> to vector<128x1xf32>
    %get3A_952 = arith.constant 117 : index
    %get3A_953 = arith.constant 0 : index
    %get3A_954 = vector.load %arg3[%get3A_952, %get3A_953] : memref<128x2048xf32, #tpu.memory_space<vmem>>, vector<1x2048xf32>
    %max3A_955 = vector.broadcast %slice3A_951 : vector<128x1xf32> to vector<128x2048xf32>
    %max3A_956 = vector.broadcast %get3A_954 : vector<1x2048xf32> to vector<128x2048xf32>
    %max3A_957 = arith.maximumf %max3A_955, %max3A_956 : vector<128x2048xf32>
    %add3A_958 = arith.addf %add3A_950, %max3A_957 : vector<128x2048xf32>
    %slice3A_959 = vector.extract_strided_slice %get3A_1 {offsets = [0, 118], sizes = [128, 1], strides = [1, 1]} : vector<128x128xf32> to vector<128x1xf32>
    %get3A_960 = arith.constant 118 : index
    %get3A_961 = arith.constant 0 : index
    %get3A_962 = vector.load %arg3[%get3A_960, %get3A_961] : memref<128x2048xf32, #tpu.memory_space<vmem>>, vector<1x2048xf32>
    %max3A_963 = vector.broadcast %slice3A_959 : vector<128x1xf32> to vector<128x2048xf32>
    %max3A_964 = vector.broadcast %get3A_962 : vector<1x2048xf32> to vector<128x2048xf32>
    %max3A_965 = arith.maximumf %max3A_963, %max3A_964 : vector<128x2048xf32>
    %add3A_966 = arith.addf %add3A_958, %max3A_965 : vector<128x2048xf32>
    %slice3A_967 = vector.extract_strided_slice %get3A_1 {offsets = [0, 119], sizes = [128, 1], strides = [1, 1]} : vector<128x128xf32> to vector<128x1xf32>
    %get3A_968 = arith.constant 119 : index
    %get3A_969 = arith.constant 0 : index
    %get3A_970 = vector.load %arg3[%get3A_968, %get3A_969] : memref<128x2048xf32, #tpu.memory_space<vmem>>, vector<1x2048xf32>
    %max3A_971 = vector.broadcast %slice3A_967 : vector<128x1xf32> to vector<128x2048xf32>
    %max3A_972 = vector.broadcast %get3A_970 : vector<1x2048xf32> to vector<128x2048xf32>
    %max3A_973 = arith.maximumf %max3A_971, %max3A_972 : vector<128x2048xf32>
    %add3A_974 = arith.addf %add3A_966, %max3A_973 : vector<128x2048xf32>
    %slice3A_975 = vector.extract_strided_slice %get3A_1 {offsets = [0, 120], sizes = [128, 1], strides = [1, 1]} : vector<128x128xf32> to vector<128x1xf32>
    %get3A_976 = arith.constant 120 : index
    %get3A_977 = arith.constant 0 : index
    %get3A_978 = vector.load %arg3[%get3A_976, %get3A_977] : memref<128x2048xf32, #tpu.memory_space<vmem>>, vector<1x2048xf32>
    %max3A_979 = vector.broadcast %slice3A_975 : vector<128x1xf32> to vector<128x2048xf32>
    %max3A_980 = vector.broadcast %get3A_978 : vector<1x2048xf32> to vector<128x2048xf32>
    %max3A_981 = arith.maximumf %max3A_979, %max3A_980 : vector<128x2048xf32>
    %add3A_982 = arith.addf %add3A_974, %max3A_981 : vector<128x2048xf32>
    %slice3A_983 = vector.extract_strided_slice %get3A_1 {offsets = [0, 121], sizes = [128, 1], strides = [1, 1]} : vector<128x128xf32> to vector<128x1xf32>
    %get3A_984 = arith.constant 121 : index
    %get3A_985 = arith.constant 0 : index
    %get3A_986 = vector.load %arg3[%get3A_984, %get3A_985] : memref<128x2048xf32, #tpu.memory_space<vmem>>, vector<1x2048xf32>
    %max3A_987 = vector.broadcast %slice3A_983 : vector<128x1xf32> to vector<128x2048xf32>
    %max3A_988 = vector.broadcast %get3A_986 : vector<1x2048xf32> to vector<128x2048xf32>
    %max3A_989 = arith.maximumf %max3A_987, %max3A_988 : vector<128x2048xf32>
    %add3A_990 = arith.addf %add3A_982, %max3A_989 : vector<128x2048xf32>
    %slice3A_991 = vector.extract_strided_slice %get3A_1 {offsets = [0, 122], sizes = [128, 1], strides = [1, 1]} : vector<128x128xf32> to vector<128x1xf32>
    %get3A_992 = arith.constant 122 : index
    %get3A_993 = arith.constant 0 : index
    %get3A_994 = vector.load %arg3[%get3A_992, %get3A_993] : memref<128x2048xf32, #tpu.memory_space<vmem>>, vector<1x2048xf32>
    %max3A_995 = vector.broadcast %slice3A_991 : vector<128x1xf32> to vector<128x2048xf32>
    %max3A_996 = vector.broadcast %get3A_994 : vector<1x2048xf32> to vector<128x2048xf32>
    %max3A_997 = arith.maximumf %max3A_995, %max3A_996 : vector<128x2048xf32>
    %add3A_998 = arith.addf %add3A_990, %max3A_997 : vector<128x2048xf32>
    %slice3A_999 = vector.extract_strided_slice %get3A_1 {offsets = [0, 123], sizes = [128, 1], strides = [1, 1]} : vector<128x128xf32> to vector<128x1xf32>
    %get3A_1000 = arith.constant 123 : index
    %get3A_1001 = arith.constant 0 : index
    %get3A_1002 = vector.load %arg3[%get3A_1000, %get3A_1001] : memref<128x2048xf32, #tpu.memory_space<vmem>>, vector<1x2048xf32>
    %max3A_1003 = vector.broadcast %slice3A_999 : vector<128x1xf32> to vector<128x2048xf32>
    %max3A_1004 = vector.broadcast %get3A_1002 : vector<1x2048xf32> to vector<128x2048xf32>
    %max3A_1005 = arith.maximumf %max3A_1003, %max3A_1004 : vector<128x2048xf32>
    %add3A_1006 = arith.addf %add3A_998, %max3A_1005 : vector<128x2048xf32>
    %slice3A_1007 = vector.extract_strided_slice %get3A_1 {offsets = [0, 124], sizes = [128, 1], strides = [1, 1]} : vector<128x128xf32> to vector<128x1xf32>
    %get3A_1008 = arith.constant 124 : index
    %get3A_1009 = arith.constant 0 : index
    %get3A_1010 = vector.load %arg3[%get3A_1008, %get3A_1009] : memref<128x2048xf32, #tpu.memory_space<vmem>>, vector<1x2048xf32>
    %max3A_1011 = vector.broadcast %slice3A_1007 : vector<128x1xf32> to vector<128x2048xf32>
    %max3A_1012 = vector.broadcast %get3A_1010 : vector<1x2048xf32> to vector<128x2048xf32>
    %max3A_1013 = arith.maximumf %max3A_1011, %max3A_1012 : vector<128x2048xf32>
    %add3A_1014 = arith.addf %add3A_1006, %max3A_1013 : vector<128x2048xf32>
    %slice3A_1015 = vector.extract_strided_slice %get3A_1 {offsets = [0, 125], sizes = [128, 1], strides = [1, 1]} : vector<128x128xf32> to vector<128x1xf32>
    %get3A_1016 = arith.constant 125 : index
    %get3A_1017 = arith.constant 0 : index
    %get3A_1018 = vector.load %arg3[%get3A_1016, %get3A_1017] : memref<128x2048xf32, #tpu.memory_space<vmem>>, vector<1x2048xf32>
    %max3A_1019 = vector.broadcast %slice3A_1015 : vector<128x1xf32> to vector<128x2048xf32>
    %max3A_1020 = vector.broadcast %get3A_1018 : vector<1x2048xf32> to vector<128x2048xf32>
    %max3A_1021 = arith.maximumf %max3A_1019, %max3A_1020 : vector<128x2048xf32>
    %add3A_1022 = arith.addf %add3A_1014, %max3A_1021 : vector<128x2048xf32>
    %slice3A_1023 = vector.extract_strided_slice %get3A_1 {offsets = [0, 126], sizes = [128, 1], strides = [1, 1]} : vector<128x128xf32> to vector<128x1xf32>
    %get3A_1024 = arith.constant 126 : index
    %get3A_1025 = arith.constant 0 : index
    %get3A_1026 = vector.load %arg3[%get3A_1024, %get3A_1025] : memref<128x2048xf32, #tpu.memory_space<vmem>>, vector<1x2048xf32>
    %max3A_1027 = vector.broadcast %slice3A_1023 : vector<128x1xf32> to vector<128x2048xf32>
    %max3A_1028 = vector.broadcast %get3A_1026 : vector<1x2048xf32> to vector<128x2048xf32>
    %max3A_1029 = arith.maximumf %max3A_1027, %max3A_1028 : vector<128x2048xf32>
    %add3A_1030 = arith.addf %add3A_1022, %max3A_1029 : vector<128x2048xf32>
    %slice3A_1031 = vector.extract_strided_slice %get3A_1 {offsets = [0, 127], sizes = [128, 1], strides = [1, 1]} : vector<128x128xf32> to vector<128x1xf32>
    %get3A_1032 = arith.constant 127 : index
    %get3A_1033 = arith.constant 0 : index
    %get3A_1034 = vector.load %arg3[%get3A_1032, %get3A_1033] : memref<128x2048xf32, #tpu.memory_space<vmem>>, vector<1x2048xf32>
    %max3A_1035 = vector.broadcast %slice3A_1031 : vector<128x1xf32> to vector<128x2048xf32>
    %max3A_1036 = vector.broadcast %get3A_1034 : vector<1x2048xf32> to vector<128x2048xf32>
    %max3A_1037 = arith.maximumf %max3A_1035, %max3A_1036 : vector<128x2048xf32>
    %add3A_1038 = arith.addf %add3A_1030, %max3A_1037 : vector<128x2048xf32>
    %add3A_1039 = arith.addf %add3A_780, %add3A_1038 : vector<128x2048xf32>
    %sub3A = vector.broadcast %mul3A_7 : vector<1x2048xf32> to vector<128x2048xf32>
    %sub3A_1040 = arith.subf %add3A_1039, %sub3A : vector<128x2048xf32>
    %reduce_min3A = arith.constant dense<0x7F800000> : vector<128xf32>
    %reduce_min3A_1041 = vector.multi_reduction <minimumf>, %sub3A_1040, %reduce_min3A [1] : vector<128x2048xf32> to vector<128xf32>
    %broadcast_in_dim3A_1042 = vector.shape_cast %reduce_min3A_1041 : vector<128xf32> to vector<128x1xf32>
    %iota3A = tpu.iota {dimensions = array<i32: 1>} : vector<128x2048xi32>
    %eq3A = vector.broadcast %broadcast_in_dim3A_1042 : vector<128x1xf32> to vector<128x2048xf32>
    %eq3A_1043 = arith.cmpf oeq, %sub3A_1040, %eq3A : vector<128x2048xf32>
    %jit3A = arith.constant 8192 : i32
    %broadcast_in_dim3A_1044 = vector.broadcast %jit3A : i32 to vector<128x2048xi32>
    %select_n3A = arith.select %eq3A_1043, %iota3A, %broadcast_in_dim3A_1044 : vector<128x2048xi1>, vector<128x2048xi32>
    %reduce_min3A_1045 = arith.constant dense<2147483647> : vector<128xi32>
    %reduce_min3A_1046 = vector.multi_reduction <minsi>, %select_n3A, %reduce_min3A_1045 [1] : vector<128x2048xi32> to vector<128xi32>
    %broadcast_in_dim3A_1047 = vector.shape_cast %reduce_min3A_1046 : vector<128xi32> to vector<128x1xi32>
    %mul3A_1048 = arith.constant 2048 : i32
    %mul3A_1049 = arith.muli %arg1, %mul3A_1048 : i32
    %add3A_1050 = vector.broadcast %mul3A_1049 : i32 to vector<128x1xi32>
    %add3A_1051 = arith.addi %broadcast_in_dim3A_1047, %add3A_1050 : vector<128x1xi32>
    %eq3A_1052 = arith.constant 0 : i32
    %eq3A_1053 = arith.cmpi eq, %arg1, %eq3A_1052 : i32
    %convert_element_type3A = arith.extui %eq3A_1053 : i1 to i32
    %cond3A = arith.constant 0 : i32
    %cond3A_1054 = arith.cmpi ne, %convert_element_type3A, %cond3A : i32
    scf.if %cond3A_1054 {
      %swap3A = arith.constant 0 : index
      %swap3A_1064 = arith.constant 0 : index
      %swap3A_1065 = vector.load %arg5[%swap3A, %swap3A_1064] : memref<128x1xf32, #tpu.memory_space<vmem>>, vector<128x1xf32>
      tpu.vector_store %arg5[%swap3A, %swap3A_1064], %broadcast_in_dim3A_1042 {strides = array<i32>} : memref<128x1xf32, #tpu.memory_space<vmem>>, vector<128x1xf32>,
      %swap3A_1066 = arith.constant 0 : index
      %swap3A_1067 = arith.constant 0 : index
      %swap3A_1068 = vector.load %arg6[%swap3A_1066, %swap3A_1067] : memref<128x1xi32, #tpu.memory_space<vmem>>, vector<128x1xi32>
      tpu.vector_store %arg6[%swap3A_1066, %swap3A_1067], %add3A_1051 {strides = array<i32>} : memref<128x1xi32, #tpu.memory_space<vmem>>, vector<128x1xi32>,
    } else {
    }
    %gt3A = arith.constant 0 : i32
    %gt3A_1055 = arith.cmpi sgt, %arg1, %gt3A : i32
    %convert_element_type3A_1056 = arith.extui %gt3A_1055 : i1 to i32
    %cond3A_1057 = arith.constant 0 : i32
    %cond3A_1058 = arith.cmpi ne, %convert_element_type3A_1056, %cond3A_1057 : i32
    scf.if %cond3A_1058 {
      %get3A_1064 = arith.constant 0 : index
      %get3A_1065 = arith.constant 0 : index
      %get3A_1066 = vector.load %arg5[%get3A_1064, %get3A_1065] : memref<128x1xf32, #tpu.memory_space<vmem>>, vector<128x1xf32>
      %lt3A = arith.cmpf olt, %broadcast_in_dim3A_1042, %get3A_1066 : vector<128x1xf32>
      %get3A_1067 = arith.constant 0 : index
      %get3A_1068 = arith.constant 0 : index
      %get3A_1069 = vector.load %arg6[%get3A_1067, %get3A_1068] : memref<128x1xi32, #tpu.memory_space<vmem>>, vector<128x1xi32>
      %select_n3A_1070 = arith.select %lt3A, %add3A_1051, %get3A_1069 : vector<128x1xi1>, vector<128x1xi32>
      %swap3A = arith.constant 0 : index
      %swap3A_1071 = arith.constant 0 : index
      %swap3A_1072 = vector.load %arg6[%swap3A, %swap3A_1071] : memref<128x1xi32, #tpu.memory_space<vmem>>, vector<128x1xi32>
      tpu.vector_store %arg6[%swap3A, %swap3A_1071], %select_n3A_1070 {strides = array<i32>} : memref<128x1xi32, #tpu.memory_space<vmem>>, vector<128x1xi32>,
      %get3A_1073 = arith.constant 0 : index
      %get3A_1074 = arith.constant 0 : index
      %get3A_1075 = vector.load %arg5[%get3A_1073, %get3A_1074] : memref<128x1xf32, #tpu.memory_space<vmem>>, vector<128x1xf32>
      %select_n3A_1076 = arith.select %lt3A, %broadcast_in_dim3A_1042, %get3A_1075 : vector<128x1xi1>, vector<128x1xf32>
      %swap3A_1077 = arith.constant 0 : index
      %swap3A_1078 = arith.constant 0 : index
      %swap3A_1079 = vector.load %arg5[%swap3A_1077, %swap3A_1078] : memref<128x1xf32, #tpu.memory_space<vmem>>, vector<128x1xf32>
      tpu.vector_store %arg5[%swap3A_1077, %swap3A_1078], %select_n3A_1076 {strides = array<i32>} : memref<128x1xf32, #tpu.memory_space<vmem>>, vector<128x1xf32>,
    } else {
    }
    %eq3A_1059 = arith.constant 3 : i32
    %eq3A_1060 = arith.cmpi eq, %arg1, %eq3A_1059 : i32
    %convert_element_type3A_1061 = arith.extui %eq3A_1060 : i1 to i32
    %cond3A_1062 = arith.constant 0 : i32
    %cond3A_1063 = arith.cmpi ne, %convert_element_type3A_1061, %cond3A_1062 : i32
    scf.if %cond3A_1063 {
      %get3A_1064 = arith.constant 0 : index
      %get3A_1065 = arith.constant 0 : index
      %get3A_1066 = vector.load %arg6[%get3A_1064, %get3A_1065] : memref<128x1xi32, #tpu.memory_space<vmem>>, vector<128x1xi32>
      %swap3A = arith.constant 0 : index
      %swap3A_1067 = arith.constant 0 : index
      %swap3A_1068 = arith.constant 0 : index
      %swap3A_1069 = vector.load %arg4[%swap3A, %swap3A_1067, %swap3A_1068] : memref<1x128x1xi32, #tpu.memory_space<vmem>>, vector<1x128x1xi32>
      %swap3A_1070 = vector.shape_cast %swap3A_1069 : vector<1x128x1xi32> to vector<128x1xi32>
      %swap3A_1071 = vector.shape_cast %get3A_1066 : vector<128x1xi32> to vector<1x128x1xi32>
      tpu.vector_store %arg4[%swap3A, %swap3A_1067, %swap3A_1068], %swap3A_1071 {strides = array<i32>} : memref<1x128x1xi32, #tpu.memory_space<vmem>>, vector<1x128x1xi32>,
    } else {
    }
    return
  }
  func.func @transform_0(%arg0: i32, %arg1: i32) -> (i32, i32) {
    %c0_i32 = arith.constant 0 : i32
    %c0_i32_0 = arith.constant 0 : i32
    return %arg0, %c0_i32 : i32, i32
  }
  func.func @transform_1(%arg0: i32, %arg1: i32) -> (i32, i32) {
    %c0_i32 = arith.constant 0 : i32
    %c0_i32_0 = arith.constant 0 : i32
    return %c0_i32, %arg1 : i32, i32
  }
  func.func @transform_2(%arg0: i32, %arg1: i32) -> (i32, i32, i32) {
    %c0_i32 = arith.constant 0 : i32
    %c0_i32_0 = arith.constant 0 : i32
    %c0_i32_1 = arith.constant 0 : i32
    return %arg0, %c0_i32, %c0_i32_0 : i32, i32, i32
  }
}

</mosaic_0001>

<sc_bundles>
// kernel: kernel.4.cloned.1.call-start
scs
__scs_entry_jumppad:
0x0: {  	(pc) =	sbr.rel $0x88, $3  }
0x1: {  	(tag) =	ssettag $0x0;
	lr =	simm.s32 $0x1  }
0x2: {  	[smem:$0x3FA0] =	sst lr;
	_ =	strace $0xD0000000  }
0x3: {  	_ = 	snop  }
0x4: {  	_ = 	snop  }
0x5: {  	_ = 	snop  }
0x6: {  	_ = 	snop  }
0x7: {  	_ = 	snop  }
__scs_overlays_trampoline_lowered:
0x8: {  	[smem:$0x3FAF] =	sst s0  }
0x9: {  	[smem:$0x3FB0] =	sst s1  }
0xa: {  	[smem:$0x3FB1] =	sst s2  }
0xb: {  	[smem:$0x3FB2] =	sst s3  }
0xc: {  	[smem:$0x3FB3] =	sst s4  }
0xd: {  	[smem:$0x3FB4] =	sst s5  }
0xe: {  	[smem:$0x3FB5] =	sst s6  }
0xf: {  	[smem:$0x3FB6] =	sst s7  }
0x10: {  	[smem:$0x3FB7] =	sst s8  }
0x11: {  	[smem:$0x3FB8] =	sst s9;
	s0 =	simm.s32 @!p0 $0x0  }
0x12: {  	s1 =	sld [smem:$0x3F9E];
	s0 =	simm.s32 @p0 $0x1  }
0x13: {  	[smem:$0x3FB9] =	sst s0;
	s0 =	simm.s32 @!p1 $0x0  }
0x14: {  	s2 =	sld [smem:$0x3F9D];
	s0 =	simm.s32 @p1 $0x1  }
0x15: {  	[smem:$0x3FBA] =	sst s0;
	s0 =	simm.s32 @!p2 $0x0  }
0x16: {  	s3 =	sld [smem:$0x3FDB];
	s0 =	simm.s32 @p2 $0x1  }
0x17: {  	s4 =	simm.s32 $0x1BF5;
	[smem:$0x3FBC] =	sst s0  }
0x18: {  	s0 =	sld [smem:$0x3F9F];
	_ =	swait.ge [sflag:s4], $0x0  }
0x19: {  	s7 =	sld [smem:$0x3FA0]  }
0x1a: {  	s8 =	sadd.s32 $0xFFFFE003, lr  }
0x1b: {  	s9 =	sadd.s32 $0xFFFFFEF7, lr;
	s5 =	simm.s32 $0xFFFFFFFF;
	p2 =	slt.u32 s8, $0xFFFFF086  }
0x1c: {  	p1 =	slt.u32 s9, $0xF7A;
	s5 =	simm.s32 @!p2 $0x0  }
0x1d: {  	s5 =	simm.s32 @p1 $0x1;
	p0 =	seq.s32 s7, s2  }
0x1e: {  	s7 =	smul.u32 @!p0 $0xF7A, s2;
	p2 =	seq.s32 @!p0 s5, $0x0  }
0x1f: {  	s9 =	smul.u32 $0xF7A, s1;
	s8 =	simm.s32 @!p0 $0x1BF5;
	p2 =	por !p2, p0  }
0x20: {  	[sflag:s8] =	ssyncset.s32 @!p0 $0xFFFFF086;
	s6 =	sadd.s32 @!p0 s3, s7;
	s7 =	simm.s32 @!p0 $0x108  }
0x21: {  	s3 =	sadd.s32 s3, s9;
	s6 =	sadd.s32 @!p0 $0x88, s6;
	s7 =	simm.s32 @p2 $0x1082  }
0x22: {  	[simem:s7], [sflag:s8] =	dma.local @!p0 [hbm:s6], $0xF7A  }
0x23: {  	s9 =	sor.u32 $0xD0000000, s2;
	s6 =	simm.s32 $0x108;
	_ =	swait.ge @!p0 [sflag:s8], $0x0  }
0x24: {  	s3 =	sadd.s32 $0x88, s3;
	s6 =	simm.s32 @!p1 $0x1082;
	[sflag:s4] =	ssyncset.s32 $0xFFFFF086  }
0x25: {  	[simem:s6], [sflag:s4] =	dma.local [hbm:s3], $0xF7A  }
0x26: {  	[smem:$0x3FA0] =	sst s1;
	(tag) =	ssettag s2;
	_ =	strace s9  }
0x27: {  	s1 =	sld [smem:$0x3FB0]  }
0x28: {  	s2 =	sld [smem:$0x3FB1]  }
0x29: {  	s4 =	sld [smem:$0x3FB3]  }
0x2a: {  	p0 =	seq.s32 s5, $0x0;
	s5 =	sld [smem:$0x3FB4]  }
0x2b: {  	s6 =	sld [smem:$0x3FB5]  }
0x2c: {  	s7 =	sld [smem:$0x3FB6]  }
0x2d: {  	s3 =	simm.s32 $0x108;
	s8 =	sld [smem:$0x3FB7]  }
0x2e: {  	s3 =	simm.s32 @!p0 $0x1082;
	s9 =	sld [smem:$0x3FB8]  }
0x2f: {  	lr =	sadd.s32 s0, s3;
	s0 =	sld [smem:$0x3FAF]  }
0x30: {  	s3 =	sld [smem:$0x3FB2]  }
0x31: {  	[smem:$0x3FBB] =	sst s10  }
0x32: {  	s10 =	sld [smem:$0x3FB9];
	_ =	sdelay $0x3  }
0x33: {  	p0 =	seq.s32 s10, $0x1;
	s10 =	sld [smem:$0x3FBB];
	_ =	sdelay $0x3  }
0x34: {  	[smem:$0x3FBB] =	sst s10  }
0x35: {  	s10 =	sld [smem:$0x3FBA];
	_ =	sdelay $0x3  }
0x36: {  	p1 =	seq.s32 s10, $0x1;
	s10 =	sld [smem:$0x3FBB];
	_ =	sdelay $0x3  }
0x37: {  	[smem:$0x3FBB] =	sst s10  }
0x38: {  	s10 =	sld [smem:$0x3FBC]  }
0x39: {  	_ = 	snop;
	(pc) =	sbr.ind lr, $3  }
0x3a: {  	_ = 	snop  }
0x3b: {  	_ = 	snop  }
0x3c: {  	p2 =	seq.s32 s10, $0x1;
	s10 =	sld [smem:$0x3FBB]  }
0x3d: {  	_ =	shalt  }
0x3e: {  	_ =	shalt  }
0x3f: {  	_ =	shalt  }
0x40: {  	_ =	shalt  }
0x41: {  	_ =	shalt  }
0x42: {  	_ =	shalt  }
0x43: {  	_ =	shalt  }
0x44: {  	_ =	shalt  }
0x45: {  	_ =	shalt  }
0x46: {  	_ =	shalt  }
0x47: {  	_ =	shalt  }
0x48: {  	_ =	shalt  }
0x49: {  	_ =	shalt  }
0x4a: {  	_ =	shalt  }
0x4b: {  	_ =	shalt  }
0x4c: {  	_ =	shalt  }
0x4d: {  	_ =	shalt  }
0x4e: {  	_ =	shalt  }
0x4f: {  	_ =	shalt  }
0x50: {  	_ =	shalt  }
0x51: {  	_ =	shalt  }
0x52: {  	_ =	shalt  }
0x53: {  	_ =	shalt  }
0x54: {  	_ =	shalt  }
0x55: {  	_ =	shalt  }
0x56: {  	_ =	shalt  }
0x57: {  	_ =	shalt  }
0x58: {  	_ =	shalt  }
0x59: {  	_ =	shalt  }
0x5a: {  	_ =	shalt  }
0x5b: {  	_ =	shalt  }
0x5c: {  	_ =	shalt  }
0x5d: {  	_ =	shalt  }
0x5e: {  	_ =	shalt  }
0x5f: {  	_ =	shalt  }
0x60: {  	_ =	shalt  }
0x61: {  	_ =	shalt  }
0x62: {  	_ =	shalt  }
0x63: {  	_ =	shalt  }
0x64: {  	_ =	shalt  }
0x65: {  	_ =	shalt  }
0x66: {  	_ =	shalt  }
0x67: {  	_ =	shalt  }
0x68: {  	_ =	shalt  }
0x69: {  	_ =	shalt  }
0x6a: {  	_ =	shalt  }
0x6b: {  	_ =	shalt  }
0x6c: {  	_ =	shalt  }
0x6d: {  	_ =	shalt  }
0x6e: {  	_ =	shalt  }
0x6f: {  	_ =	shalt  }
0x70: {  	_ =	shalt  }
0x71: {  	_ =	shalt  }
0x72: {  	_ =	shalt  }
0x73: {  	_ =	shalt  }
0x74: {  	_ =	shalt  }
0x75: {  	_ =	shalt  }
0x76: {  	_ =	shalt  }
0x77: {  	_ =	shalt  }
0x78: {  	_ =	shalt  }
0x79: {  	_ =	shalt  }
0x7a: {  	_ =	shalt  }
0x7b: {  	_ =	shalt  }
0x7c: {  	_ =	shalt  }
0x7d: {  	_ =	shalt  }
0x7e: {  	_ =	shalt  }
0x7f: {  	_ =	shalt  }
0x80: {  	_ =	shalt  }
0x81: {  	_ =	shalt  }
0x82: {  	_ =	shalt  }
0x83: {  	_ =	shalt  }
0x84: {  	_ =	shalt  }
0x85: {  	_ =	shalt  }
0x86: {  	_ =	shalt  }
0x87: {  	_ =	shalt  }
.Lfunc_end0:
.L_simem_size_0:
called_computation_lowered:
.L_overlay_start_0:
0x88: {  	s2 =	sld [smem:$0x3FD9]  }
0x89: {  	s3 =	sld [smem:$0x3FFE];
	_ =	sdelay $0x1  }
0x8a: {  	s1 =	srdreg.scid  }
0x8b: {  	s0 =	sand.u32 $0x1, s1  }
0x8c: {  	s14 =	sshll.u32 s0, $0xA;
	s2 =	sadd.s32 s3, s2  }
0x8d: {  	s2 =	sadd.s32 s2, s14  }
0x8e: {  	[smem:$0x3FC7] =	sst s2  }
0x8f: {  	_ = 	snop  }
0x90: {  	s2 =	sld [smem:$0x3FD0];
	_ =	sdelay $0x2  }
0x91: {  	s15 =	simm.s32 $0xA;
	s4 =	simm.s32 $0x10  }
0x92: {  	[smem:s4], [sflag:s15] =	dma.local [hbm:s2], $0x1  }
0x93: {  	_ =	swait.eq [sflag:s15], $0x1  }
0x94: {  	[sflag:s15] =	ssyncset.done $0x0  }
0x95: {  	s16 =	sld [smem:$0x10];
	[sflag:s15] =	ssyncadd.s32 $0xFFFFFFFF  }
0x96: {  	s17 =	sld [smem:$0x11];
	(tm) =	ssettm $0x1  }
0x97: {  	s18 =	sld [smem:$0x3FFB];
	_ =	sdelay $0x3  }
0x98: {  	_ =	strace s18  }
0x99: {  	s4 =	sld [smem:$0x3FFC];
	_ =	sdelay $0x3  }
0x9a: {  	_ =	strace s4  }
0x9b: {  	s4 =	sld [smem:$0x3FFD];
	_ =	sdelay $0x3  }
0x9c: {  	_ =	strace s4  }
0x9d: {  	_ =	strace $0x8FFFFFFF  }
0x9e: {  	s19 =	sld [smem:$0x3FDB];
	_ =	sdelay $0x1  }
0x9f: {  	s5 =	simm.s32 $_scs_section_size  }
0xa0: {  	s6 =	simm.s32 $_size__tile_overlayer_lowered;
	s7 =	simm.s32 $_tile_overlayer_lowered  }
0xa1: {  	s22 =	simm.s32 $0x1BFF;
	s21 =	sshll.u32 s7, $0x1;
	s4 =	sadd.s32 s5, s19  }
0xa2: {  	s8 =	simm.s32 $0x0;
	s20 =	sshll.u32 s6, $0x1;
	s6 =	sadd.s32 s21, s4  }
0xa3: {  	[timem:s8], [sflag:s22] =	dma.local [hbm:s6], s20  }
0xa4: {  	_ =	swait.ge [sflag:s22], s20  }
0xa5: {  	s5 =	ssub.s32 $0x0, s20;
	[sflag:s22] =	ssyncset.done $0x0  }
0xa6: {  	[sflag:s22] =	ssyncadd.s32 s5;
	_ =	sdelay $0x1  }
0xa7: {  	s23 =	simm.s32 $0x1B8B  }
0xa8: {  	_ =	swait.ge [sflag:s23], $0x1  }
0xa9: {  	[sflag:s23] =	ssyncset.done $0x0  }
0xaa: {  	s25 =	simm.s32 $0x1B8E;
	s24 =	sld [smem:$0x3FFE];
	[sflag:s23] =	ssyncadd.s32 $0xFFFFFFFF  }
0xab: {  	s26 =	simm.s32 $execute0_lowered;
	[smem:$0x3FD2] =	sst s25  }
0xac: {  	s6 =	sshll.u32 s26, $0x1;
	_ =	strace $0x80000046;
	[dreg:$0x1] =	wrdreg $0xFFFFFFFF  }
0xad: {  	s28 =	simm.s32 $_size_execute0_lowered;
	s4 =	sadd.s32 s4, s6;
	[dreg:$0x0] =	wrdreg $0x0  }
0xae: {  	s6 =	sshll.u32 s28, $0x1;
	[dreg:$0x2] =	wrdreg s4  }
0xaf: {  	[dreg:$0x3] =	wrdreg s6  }
0xb0: {  	[dreg:$0x4] =	wrdreg $0xC0  }
0xb1: {  	_ =	task [dreg:s8], $0x5FFFF  }
0xb2: {  	[dreg:$0x1] =	wrdreg $0xFFFFFFFF  }
0xb3: {  	[dreg:$0x0] =	wrdreg $0x60  }
0xb4: {  	[dreg:$0x2] =	wrdreg s24  }
0xb5: {  	[dreg:$0x3] =	wrdreg s16  }
0xb6: {  	[dreg:$0x4] =	wrdreg s17  }
0xb7: {  	[dreg:$0x5] =	wrdreg $0x9  }
0xb8: {  	_ =	task.clear_ibuf [dreg:s8], $0x6FFFF;
	_ =	strace $0x90000046  }
0xb9: {  	s29 =	simm.s32 $0x9;
	_ =	strace $0x80000048  }
0xba: {  	_ =	swait.ge [sflag:s29], $0x1  }
0xbb: {  	[sflag:s29] =	ssyncadd.s32 $0xFFFFFFFF  }
0xbc: {  	_ =	strace $0x90000048  }
0xbd: {  	_ =	sfence  }
0xbe: {  	s30 =	sld [smem:$0x0];
	_ =	sdelay $0x2  }
0xbf: {  	s31 =	sshll.u32 s1, $0xD;
	s1 =	sshrl.u32 s1, $0x2  }
0xc0: {  	s3 =	sand.u32 $0x4000, s31;
	s1 =	sadd.s32 s1, s30  }
0xc1: {  	s0 =	sor.u32 s3, s0;
	s1 =	sshll.u32 s1, $0x11  }
0xc2: {  	s0 =	sor.u32 s1, s0  }
0xc3: {  	s0 =	sadd.s32 $0x8F2B, s0  }
0xc4: {  	[sflag:s0] =	ssyncadd.remote.s32 $0x1  }
0xc5: {  	_ =	sfence.sel $0xFFFF  }
0xc6: {  	[dreg:$0x0] =	wrdreg $0xFFFFFFFF;
	(pc) =	sbr.abs _section_cstart, $3  }
0xc7: {  	[dreg:$0x1] =	wrdreg $0xFFFFFFFF  }
0xc8: {  	_ =	task.clear_ibuf [dreg:s8], $0x2FFFF;
	_ =	strace $0x9FFFFFFF  }
0xc9: {  	(tm) =	ssettm $0x7FFFFFFF  }
tec
execute0_lowered:
.L_overlay_start_1:
0x0: {  	(tag) =	ssettag $0x1  }
0x1: {  	s4 =	rddreg [dreg:$0x0]  }
0x2: {  	s5 =	rddreg [dreg:$0x1]  }
0x3: {  	s6 =	rddreg [dreg:$0x2]  }
0x4: {  	s0 =	rddreg [dreg:$0x3];
	s2 =	simm.s32 $0x0;
	s3 =	srdreg.scid  }
0x5: {  	s1 =	stileid.u32;
	s12 =	simm.s32 $0x1;
	s13 =	simm.s32 $0x0  }
0x6: {  	[smem:$0x7FF] =	sst s2;
	s7 =	sand.u32 $0x1, s3;
	s8 =	sshll.u32 s1, $0x7  }
0x7: {  	s3 =	sadd.s32 $0x8400, s4;
	s9 =	sshll.u32 s7, $0x6;
	s7 =	ssub.s32 $0x2, s7  }
0x8: {  	_ =	strace $0x80000047;
	s8 =	sor.u32 s9, s8;
	s10 =	sshrl.u32 s7, $0x1  }
0x9: {  	s9 =	sshll.u32 s8, $0x4;
	s8 =	sshrl.u32 s8, $0x3;
	s7 =	ssub.s32 s7, s10  }
0xa: {  	s10 =	simm.s32 $0x80;
	s11 =	sadd.s32 s9, s4;
	s4 =	sadd.s32 s5, s8  }
0xb: {  	s6 =	sadd.s32 s6, s9;
	s7 =	smax.u32 s7, $0x1;
	s8 =	simm.s32 $0x2  }
0xc: {  	s9 =	simm.s32 $0x40;
	s5 =	sadd.s32 $0x400, s11;
	s11 =	simm.s32 $0x2080  }
.LBB2_1:
0xd: {  	[tilespmem:s2], [sflag:$0x2] =	stream.linear.gather [hbm4b:s4+s2], $0x40, $0x38;
	[tilespmem:$0x4080] =	vst v63  }
0xe: {  	_ =	swait.ge [sflag:s8], $0x40  }
0xf: {  	[sflag:s8] =	ssyncset.done $0x0  }
0x10: {  	[sflag:s8] =	ssyncadd.s32 $0xFFFFFFC0  }
0x11: {  	[tilespmem:s10], [sflag:$0x1] =	stream.indirect.gather [hbm4b:s3+s9], $0x80, s2, s9, $0xb8;
	[tilespmem:$0x4080] =	vst v63  }
0x12: {  	_ = 	snop  }
0x13: {  	[tilespmem:s11], [sflag:$0x2] =	stream.linear.gather [hbm4b:s5+s2], $0x2000, $0x38;
	[tilespmem:$0x4080] =	vst v63  }
0x14: {  	_ =	swait.ge [sflag:s8], $0x2000  }
0x15: {  	[sflag:s8] =	ssyncset.done $0x0  }
0x16: {  	[sflag:s8] =	ssyncadd.s32 $0xFFFFE000  }
0x17: {  	_ =	swait.ge [sflag:s12], $0x2000  }
0x18: {  	[sflag:s12] =	ssyncset.done $0x0  }
0x19: {  	s14 =	simm.s32 $0x0;
	[sflag:s12] =	ssyncadd.s32 $0xFFFFE000  }
0x1a: {  	v7 =	vld [tilespmem:s14+$0x2080]  }
0x1b: {  	v11 =	vld [tilespmem:s14+$0x2090]  }
0x1c: {  	v5 =	vld [tilespmem:s14+$0x20A0]  }
0x1d: {  	v4 =	vld [tilespmem:s14+$0x20B0]  }
0x1e: {  	v3 =	vld [tilespmem:s14+$0x20C0]  }
0x1f: {  	v2 =	vld [tilespmem:s14+$0x20D0]  }
0x20: {  	v1 =	vld [tilespmem:s14+$0x20E0]  }
0x21: {  	v0 =	vld [tilespmem:s14+$0x20F0]  }
0x22: {  	v12 =	vld [tilespmem:s14+$0x80]  }
0x23: {  	v13 =	vld [tilespmem:s14+$0x90]  }
0x24: {  	v10 =	vld [tilespmem:s14+$0xA0]  }
0x25: {  	v9 =	vld [tilespmem:s14+$0xB0]  }
0x26: {  	v8 =	vld [tilespmem:s14+$0xC0]  }
0x27: {  	v6 =	vld [tilespmem:s14+$0xD0];
	v12 =	vsub.f32 v12, v7  }
0x28: {  	s15 =	simm.s32 $0x200;
	v11 =	vsub.f32 v13, v11;
	v7 =	vld [tilespmem:s14+$0xE0]  }
.LBB2_2:
0x29: {  	s16 =	sshra.s32 s15, $0x2;
	p0 =	sne.s32 s15, $0x7E00;
	[tilespmem:s14+$0x80] =	vst v12;
	v5 =	vsub.f32 v10, v5;
	v10 =	vld [tilespmem:s14+$0xF0]  }
0x2a: {  	v12 =	vld [tilespmem:s16+$0x2080];
	[tilespmem:s14+$0x90] =	vst v11;
	v4 =	vsub.f32 v9, v4  }
0x2b: {  	v11 =	vld [tilespmem:s16+$0x2090];
	[tilespmem:s14+$0xA0] =	vst v5;
	v3 =	vsub.f32 v8, v3  }
0x2c: {  	v5 =	vld [tilespmem:s16+$0x20A0];
	[tilespmem:s14+$0xB0] =	vst v4;
	v2 =	vsub.f32 v6, v2  }
0x2d: {  	v4 =	vld [tilespmem:s16+$0x20B0];
	[tilespmem:s14+$0xC0] =	vst v3;
	v1 =	vsub.f32 v7, v1  }
0x2e: {  	v3 =	vld [tilespmem:s16+$0x20C0];
	[tilespmem:s14+$0xD0] =	vst v2;
	v0 =	vsub.f32 v10, v0  }
0x2f: {  	v2 =	vld [tilespmem:s16+$0x20D0];
	[tilespmem:s14+$0xE0] =	vst v1  }
0x30: {  	v1 =	vld [tilespmem:s16+$0x20E0];
	[tilespmem:s14+$0xF0] =	vst v0;
	s14 =	smov.u32 s16  }
0x31: {  	v0 =	vld [tilespmem:s14+$0x20F0]  }
0x32: {  	v6 =	vld [tilespmem:s14+$0x80]  }
0x33: {  	v7 =	vld [tilespmem:s14+$0x90]  }
.Ltmp0:
0x34: {  	v10 =	vld [tilespmem:s14+$0xA0];
	(pc) =	sbr.rel @p0 .LBB2_2-.Ltmp0, $4  }
0x35: {  	v9 =	vld [tilespmem:s14+$0xB0]  }
0x36: {  	v8 =	vld [tilespmem:s14+$0xC0]  }
0x37: {  	v12 =	vsub.f32 v6, v12;
	v6 =	vld [tilespmem:s14+$0xD0]  }
0x38: {  	s15 =	sadd.s32 $0x200, s15;
	v11 =	vsub.f32 v7, v11;
	v7 =	vld [tilespmem:s14+$0xE0]  }
0x39: {  	[tilespmem:s14+$0x80] =	vst v12;
	v5 =	vsub.f32 v10, v5;
	v63 =	vld [tilespmem:s14+$0xF0]  }
0x3a: {  	[tilespmem:s14+$0x90] =	vst v11;
	v4 =	vsub.f32 v9, v4  }
0x3b: {  	[tilespmem:s14+$0xA0] =	vst v5;
	v3 =	vsub.f32 v8, v3  }
0x3c: {  	[tilespmem:s14+$0xB0] =	vst v4;
	v2 =	vsub.f32 v6, v2  }
0x3d: {  	[tilespmem:s14+$0xC0] =	vst v3;
	v1 =	vsub.f32 v7, v1  }
0x3e: {  	s13 =	sadd.s32 $0x1, s13;
	[tilespmem:s14+$0xD0] =	vst v2;
	v0 =	vsub.f32 v63, v0  }
0x3f: {  	p0 =	sne.s32 s13, s7;
	[tilespmem:s14+$0xE0] =	vst v1  }
.Ltmp1:
0x40: {  	[tilespmem:s14+$0xF0] =	vst v0;
	(pc) =	sbr.rel @p0 .LBB2_1-.Ltmp1, $4  }
0x41: {  	[hbm4b:s6+s2] =	stream.linear.scatter [tilespmem:s10], [sflag:$0x2], $0x2000, $0x38;
	[tilespmem:$0x4080] =	vst v63  }
0x42: {  	_ =	swait.ge [sflag:s8], $0x2000  }
0x43: {  	[sflag:s8] =	ssyncset.done $0x0  }
0x44: {  	[sflag:s8] =	ssyncadd.s32 $0xFFFFE000  }
0x45: {  	_ =	sfence.sel $0x180000  }
0x46: {  	[bflag:$0x0] =	sbarrier.arrive $0xFFFF  }
0x47: {  	p0 =	sne.s32 s1, $0x0;
	_ =	strace $0x90000047  }
0x48: {  	s0 =	sadd.s32 @!p0 $0x100000, s0;
	[bflag:$0x2] =	sbarrier.arrive $0xFFFF  }
0x49: {  	[sflag:s0] =	ssyncadd.tile.s32 @!p0 $0x1;
	_ =	shalt  }
.Lfunc_end2:
_tile_overlayer_lowered:
.L_overlay_start_2:
0x4a: {  	(tag) =	ssettag $0x2  }
0x4b: {  	s0 =	rddreg [dreg:$0x0];
	s2 =	stileid.u32  }
0x4c: {  	s1 =	rddreg [dreg:$0x1];
	p0 =	sne.s32 s2, $0x0  }
0x4d: {  	s3 =	rddreg [dreg:$0x2];
	[bflag:$0x3] =	sbarrier.arrive $0xFFFF;
	s2 =	simm.s32 @!p0 $0x1C02  }
0x4e: {  	[timem:s3], [sflag:s2] =	dma.local @!p0 [hbm:s0], s1  }
0x4f: {  	s0 =	simm.s32 @!p0 $0x2  }
0x50: {  	_ =	swait.ge @!p0 [sflag:s0], s1  }
0x51: {  	s1 =	ssub.s32 @!p0 $0x0, s1;
	[sflag:s0] =	ssyncset.done @!p0 $0x0  }
0x52: {  	[sflag:s0] =	ssyncadd.s32 @!p0 s1  }
0x53: {  	[bflag:$0x3] =	sbarrier.arrive $0xFFFF  }
0x54: {  	_ =	shalt  }

</sc_bundles>
